<compile_context>
chip_gen: v7x
topology: tpu7x:2x2x1
jax: 0.10.2.dev20260603
libtpu: 0.0.44.dev20260713+nightly
codegen_flags: <defaults>
</compile_context>

<pallas_src>
import jax
import jax.numpy as jnp
from jax import lax
from jax.experimental import pallas as pl
from jax.experimental.pallas import tpu as pltpu
from jax.experimental.pallas import tpu_sc as plsc

FEAT = 1024
NCLS = 1000
VPAD = 1024
BATCH = 16384

NC, NS = 2, 16
NW = NC * NS
BPW = BATCH // NW
CHUNK = 16
NCHUNK = BPW // CHUNK
NBUF = 4


def _transpose_body(p_ref, o_ref):
    o_ref[0:NCLS, :] = p_ref[...].T


def _transpose(proto):
    return pl.pallas_call(
        _transpose_body,
        out_shape=jax.ShapeDtypeStruct((VPAD, FEAT), jnp.float32),
    )(proto)


def _gather_body(table_hbm, idx_hbm, out_hbm, idx_v, rows_v,
                 gsem0, gsem1, gsem2, gsem3, ssem0, ssem1, ssem2, ssem3):
    gsems = (gsem0, gsem1, gsem2, gsem3)
    ssems = (ssem0, ssem1, ssem2, ssem3)
    wid = lax.axis_index("s") * NC + lax.axis_index("c")
    base = wid * BPW
    pltpu.sync_copy(idx_hbm.at[pl.ds(base, BPW)], idx_v)

    def gather(g, b):
        return pltpu.make_async_copy(
            table_hbm.at[idx_v.at[pl.ds(g * CHUNK, CHUNK)]],
            rows_v.at[b],
            gsems[b],
        )

    def scatter(g, b):
        return pltpu.make_async_copy(
            rows_v.at[b],
            out_hbm.at[pl.ds(base + g * CHUNK, CHUNK)],
            ssems[b],
        )

    for b in range(NBUF - 1):
        gather(b, b).start()

    def body(j, _):
        for b in range(NBUF):
            g = NBUF * j + b

            @pl.when(g >= 1)
            def _():
                scatter(g - 1, (b - 1) % NBUF).wait()

            @pl.when(g + NBUF - 1 < NCHUNK)
            def _():
                gather(g + NBUF - 1, (b + NBUF - 1) % NBUF).start()

            gather(g, b).wait()
            scatter(g, b).start()
        return 0

    lax.fori_loop(0, NCHUNK // NBUF, body, 0)
    scatter(NCHUNK - 1, (NCHUNK - 1) % NBUF).wait()


def _sc_gather(tableT, label):
    mesh = plsc.VectorSubcoreMesh(core_axis_name="c", subcore_axis_name="s")
    return pl.kernel(
        _gather_body,
        out_type=jax.ShapeDtypeStruct((BATCH, FEAT), jnp.float32),
        mesh=mesh,
        scratch_types=[
            pltpu.VMEM((BPW,), jnp.int32),
            pltpu.VMEM((NBUF, CHUNK, FEAT), jnp.float32),
        ] + [pltpu.SemaphoreType.DMA] * 8,
    )(tableT, label)


def kernel(label, proto):
    tableT = _transpose(proto)
    return _sc_gather(tableT, label.astype(jnp.int32))

# --- scband reference (transcript-rebuilt; emitter-appended) ---
"""Pipeline reference for scband-proto-classifier-52123723104926 (READ-ONLY COPY).

The authoritative reference and input builder live on the scoring server;
editing this copy changes nothing except your own understanding.
"""

import jax, jax.numpy as jnp
import numpy as np

FEAT_IN = 1024
NUM_CLASSES = 1000
BATCH = 16384

def _make_proto():
    rng = np.random.RandomState(0)
    a = rng.random_sample((FEAT_IN, NUM_CLASSES))
    P, _ = np.linalg.qr(a)
    P = P.astype(np.float32)
    I = np.eye(NUM_CLASSES, dtype=np.float32)
    one = np.ones((NUM_CLASSES, NUM_CLASSES), dtype=np.float32)
    M = np.sqrt(NUM_CLASSES / (NUM_CLASSES - 1)) * (P @ (I - (1.0 / NUM_CLASSES) * one))
    return jnp.asarray(M, dtype=jnp.float32)

def setup_inputs(seed: int = 0) -> dict:
    key = jax.random.key(seed)
    label = jax.random.randint(key, (BATCH,), 0, NUM_CLASSES, dtype=jnp.int64 if jax.config.jax_enable_x64 else jnp.int32)
    proto = _make_proto()
    return {"label": label, "proto": proto}

def reference(label, proto):
    # target = proto[:, label].T  -> gather columns then transpose -> (B, feat_in)
    target = jnp.take(proto, label, axis=1).T
    return target

if __name__ == "__main__":
    import jax
    _d = setup_inputs()
    print(jax.jit(kernel)(*tuple(_d.values())))

</pallas_src>

<mosaic_0001>
#map = affine_map<(d0, d1) -> (0, 0)>
#map1 = affine_map<(d0, d1) -> (0)>
module attributes {stable_mosaic.version = 14 : i64} {
  func.func @_gather_body(%arg0: i32, %arg1: i32, %arg2: memref<1024x1024xf32, #tpu.memory_space<hbm>>, %arg3: memref<16384xi32, #tpu.memory_space<hbm>>, %arg4: memref<16384x1024xf32, #tpu.memory_space<hbm>>, %arg5: memref<512xi32, #tpu.memory_space<vmem>>, %arg6: memref<4x16x1024xf32, #tpu.memory_space<vmem>>, %arg7: memref<!tpu.dma_semaphore, #tpu.memory_space<semaphore_mem>>, %arg8: memref<!tpu.dma_semaphore, #tpu.memory_space<semaphore_mem>>, %arg9: memref<!tpu.dma_semaphore, #tpu.memory_space<semaphore_mem>>, %arg10: memref<!tpu.dma_semaphore, #tpu.memory_space<semaphore_mem>>, %arg11: memref<!tpu.dma_semaphore, #tpu.memory_space<semaphore_mem>>, %arg12: memref<!tpu.dma_semaphore, #tpu.memory_space<semaphore_mem>>, %arg13: memref<!tpu.dma_semaphore, #tpu.memory_space<semaphore_mem>>, %arg14: memref<!tpu.dma_semaphore, #tpu.memory_space<semaphore_mem>>) attributes {dimension_semantics = [#tpu.dimension_semantics<core_parallel>, #tpu.dimension_semantics<subcore_parallel>], iteration_bounds = array<i64: 2, 16>, scalar_prefetch = 0 : i64, scratch_operands = 10 : i64, tpu.core_type = #tpu.core_type<sc_vector_subcore>, window_params = [{transform_indices = #map}, {transform_indices = #map1}, {transform_indices = #map}]} {
    %mul3A = arith.constant 2 : i32
    %mul3A_0 = arith.muli %arg1, %mul3A : i32
    %add3A = arith.addi %mul3A_0, %arg0 : i32
    %mul3A_1 = arith.constant 512 : i32
    %mul3A_2 = arith.muli %add3A, %mul3A_1 : i32
    "tpu.region"() ({
      %run_scoped3A = tpu.sem_alloc : memref<!tpu.dma_semaphore, #tpu.memory_space<semaphore_mem>>
      %dma_start3A_52 = tpu.memref_slice %arg3[%mul3A_2] : memref<16384xi32, #tpu.memory_space<hbm>> -> memref<512xi32, #tpu.memory_space<hbm>>
      %dma_start3A_53 = tpu.memref_slice %arg3[%mul3A_2] : memref<16384xi32, #tpu.memory_space<hbm>> -> memref<512xi32, #tpu.memory_space<hbm>>
      tpu.enqueue_dma source(%dma_start3A_53 : memref<512xi32, #tpu.memory_space<hbm>>) target(%arg5 : memref<512xi32, #tpu.memory_space<vmem>>) target_semaphore(%run_scoped3A : memref<!tpu.dma_semaphore, #tpu.memory_space<semaphore_mem>>)
      %dma_wait3A_54 = tpu.memref_slice %arg3[%mul3A_2] : memref<16384xi32, #tpu.memory_space<hbm>> -> memref<512xi32, #tpu.memory_space<hbm>>
      %dma_wait3A_55 = tpu.memref_slice %arg3[%mul3A_2] : memref<16384xi32, #tpu.memory_space<hbm>> -> memref<512xi32, #tpu.memory_space<hbm>>
      tpu.wait_dma2 semaphore(%run_scoped3A : memref<!tpu.dma_semaphore, #tpu.memory_space<semaphore_mem>>) src(%dma_wait3A_55 : memref<512xi32, #tpu.memory_space<hbm>>) dst(%arg5 : memref<512xi32, #tpu.memory_space<vmem>>)
      tpu.yield
    }) : () -> ()
    %dma_start3A = arith.constant 0 : i32
    %dma_start3A_3 = arith.constant 0 : i32
    %dma_start3A_4 = arith.constant 0 : i32
    %dma_start3A_5 = tpu.memref_slice %arg6[%dma_start3A, %dma_start3A_3, %dma_start3A_4] : memref<4x16x1024xf32, #tpu.memory_space<vmem>> -> memref<1x16x1024xf32, #tpu.memory_space<vmem>>
    %dma_start3A_6 = tpu.memref_squeeze %dma_start3A_5 : memref<1x16x1024xf32, #tpu.memory_space<vmem>> -> memref<16x1024xf32, #tpu.memory_space<vmem>>
    %dma_start3A_7 = arith.constant 0 : i32
    %dma_start3A_8 = tpu.memref_slice %arg5[%dma_start3A_7] : memref<512xi32, #tpu.memory_space<vmem>> -> memref<16xi32, #tpu.memory_space<vmem>>
    %dma_start3A_9 = arith.constant 0 : i32
    %dma_start3A_10 = arith.constant 0 : i32
    %dma_start3A_11 = tpu.memref_slice %arg2[%dma_start3A_9, %dma_start3A_10] : memref<1024x1024xf32, #tpu.memory_space<hbm>> -> memref<1024x1024xf32, #tpu.memory_space<hbm>>
    tpu.enqueue_indirect_dma source(%dma_start3A_11 : memref<1024x1024xf32, #tpu.memory_space<hbm>>) target(%dma_start3A_6 : memref<16x1024xf32, #tpu.memory_space<vmem>>) offsets(%dma_start3A_8 : memref<16xi32, #tpu.memory_space<vmem>>) semaphore(%arg7 : memref<!tpu.dma_semaphore, #tpu.memory_space<semaphore_mem>>)
    %dma_start3A_12 = arith.constant 1 : i32
    %dma_start3A_13 = arith.constant 0 : i32
    %dma_start3A_14 = arith.constant 0 : i32
    %dma_start3A_15 = tpu.memref_slice %arg6[%dma_start3A_12, %dma_start3A_13, %dma_start3A_14] : memref<4x16x1024xf32, #tpu.memory_space<vmem>> -> memref<1x16x1024xf32, #tpu.memory_space<vmem>>
    %dma_start3A_16 = tpu.memref_squeeze %dma_start3A_15 : memref<1x16x1024xf32, #tpu.memory_space<vmem>> -> memref<16x1024xf32, #tpu.memory_space<vmem>>
    %dma_start3A_17 = arith.constant 16 : i32
    %dma_start3A_18 = tpu.memref_slice %arg5[%dma_start3A_17] : memref<512xi32, #tpu.memory_space<vmem>> -> memref<16xi32, #tpu.memory_space<vmem>>
    %dma_start3A_19 = arith.constant 0 : i32
    %dma_start3A_20 = arith.constant 0 : i32
    %dma_start3A_21 = tpu.memref_slice %arg2[%dma_start3A_19, %dma_start3A_20] : memref<1024x1024xf32, #tpu.memory_space<hbm>> -> memref<1024x1024xf32, #tpu.memory_space<hbm>>
    tpu.enqueue_indirect_dma source(%dma_start3A_21 : memref<1024x1024xf32, #tpu.memory_space<hbm>>) target(%dma_start3A_16 : memref<16x1024xf32, #tpu.memory_space<vmem>>) offsets(%dma_start3A_18 : memref<16xi32, #tpu.memory_space<vmem>>) semaphore(%arg8 : memref<!tpu.dma_semaphore, #tpu.memory_space<semaphore_mem>>)
    %dma_start3A_22 = arith.constant 2 : i32
    %dma_start3A_23 = arith.constant 0 : i32
    %dma_start3A_24 = arith.constant 0 : i32
    %dma_start3A_25 = tpu.memref_slice %arg6[%dma_start3A_22, %dma_start3A_23, %dma_start3A_24] : memref<4x16x1024xf32, #tpu.memory_space<vmem>> -> memref<1x16x1024xf32, #tpu.memory_space<vmem>>
    %dma_start3A_26 = tpu.memref_squeeze %dma_start3A_25 : memref<1x16x1024xf32, #tpu.memory_space<vmem>> -> memref<16x1024xf32, #tpu.memory_space<vmem>>
    %dma_start3A_27 = arith.constant 32 : i32
    %dma_start3A_28 = tpu.memref_slice %arg5[%dma_start3A_27] : memref<512xi32, #tpu.memory_space<vmem>> -> memref<16xi32, #tpu.memory_space<vmem>>
    %dma_start3A_29 = arith.constant 0 : i32
    %dma_start3A_30 = arith.constant 0 : i32
    %dma_start3A_31 = tpu.memref_slice %arg2[%dma_start3A_29, %dma_start3A_30] : memref<1024x1024xf32, #tpu.memory_space<hbm>> -> memref<1024x1024xf32, #tpu.memory_space<hbm>>
    tpu.enqueue_indirect_dma source(%dma_start3A_31 : memref<1024x1024xf32, #tpu.memory_space<hbm>>) target(%dma_start3A_26 : memref<16x1024xf32, #tpu.memory_space<vmem>>) offsets(%dma_start3A_28 : memref<16xi32, #tpu.memory_space<vmem>>) semaphore(%arg9 : memref<!tpu.dma_semaphore, #tpu.memory_space<semaphore_mem>>)
    %scan3A = arith.constant 0 : i32
    %scan3A_32 = arith.constant 0 : i32
    %scan3A_33 = arith.constant 8 : i32
    %scan3A_34 = arith.addi %scan3A_32, %scan3A_33 : i32
    %scan3A_35 = arith.constant 1 : i32
    %scan3A_36 = scf.for %scan3A_52 = %scan3A_32 to %scan3A_34 step %scan3A_35 iter_args(%scan3A_53 = %scan3A) -> (i32)  : i32 {
      %mul3A_54 = arith.constant 4 : i32
      %mul3A_55 = arith.muli %mul3A_54, %scan3A_52 : i32
      %add3A_56 = arith.constant 0 : i32
      %add3A_57 = arith.addi %mul3A_55, %add3A_56 : i32
      %ge3A = arith.constant 1 : i32
      %ge3A_58 = arith.cmpi sge, %add3A_57, %ge3A : i32
      %convert_element_type3A = arith.extui %ge3A_58 : i1 to i32
      %cond3A = arith.constant 0 : i32
      %cond3A_59 = arith.cmpi ne, %convert_element_type3A, %cond3A : i32
      scf.if %cond3A_59 {
        %sub3A_230 = arith.constant 1 : i32
        %sub3A_231 = arith.subi %add3A_57, %sub3A_230 : i32
        %mul3A_232 = arith.constant 16 : i32
        %mul3A_233 = arith.muli %sub3A_231, %mul3A_232 : i32
        %add3A_234 = arith.addi %mul3A_2, %mul3A_233 : i32
        %dma_wait3A_235 = arith.constant 3 : i32
        %dma_wait3A_236 = arith.constant 0 : i32
        %dma_wait3A_237 = arith.constant 0 : i32
        %dma_wait3A_238 = tpu.memref_slice %arg6[%dma_wait3A_235, %dma_wait3A_236, %dma_wait3A_237] : memref<4x16x1024xf32, #tpu.memory_space<vmem>> -> memref<1x16x1024xf32, #tpu.memory_space<vmem>>
        %dma_wait3A_239 = tpu.memref_squeeze %dma_wait3A_238 : memref<1x16x1024xf32, #tpu.memory_space<vmem>> -> memref<16x1024xf32, #tpu.memory_space<vmem>>
        %dma_wait3A_240 = arith.constant 0 : i32
        %dma_wait3A_241 = tpu.memref_slice %arg4[%add3A_234, %dma_wait3A_240] : memref<16384x1024xf32, #tpu.memory_space<hbm>> -> memref<16x1024xf32, #tpu.memory_space<hbm>>
        %dma_wait3A_242 = arith.constant 0 : i32
        %dma_wait3A_243 = tpu.memref_slice %arg4[%add3A_234, %dma_wait3A_242] : memref<16384x1024xf32, #tpu.memory_space<hbm>> -> memref<16x1024xf32, #tpu.memory_space<hbm>>
        %dma_wait3A_244 = arith.constant 0 : i32
        %dma_wait3A_245 = arith.constant 0 : i32
        %dma_wait3A_246 = tpu.memref_slice %arg6[%dma_wait3A_235, %dma_wait3A_244, %dma_wait3A_245] : memref<4x16x1024xf32, #tpu.memory_space<vmem>> -> memref<1x16x1024xf32, #tpu.memory_space<vmem>>
        %dma_wait3A_247 = tpu.memref_squeeze %dma_wait3A_246 : memref<1x16x1024xf32, #tpu.memory_space<vmem>> -> memref<16x1024xf32, #tpu.memory_space<vmem>>
        tpu.wait_dma2 semaphore(%arg14 : memref<!tpu.dma_semaphore, #tpu.memory_space<semaphore_mem>>) src(%dma_wait3A_247 : memref<16x1024xf32, #tpu.memory_space<vmem>>) dst(%dma_wait3A_243 : memref<16x1024xf32, #tpu.memory_space<hbm>>)
      } else {
      }
      %add3A_60 = arith.constant 4 : i32
      %add3A_61 = arith.addi %add3A_57, %add3A_60 : i32
      %sub3A = arith.constant 1 : i32
      %sub3A_62 = arith.subi %add3A_61, %sub3A : i32
      %lt3A = arith.constant 32 : i32
      %lt3A_63 = arith.cmpi slt, %sub3A_62, %lt3A : i32
      %convert_element_type3A_64 = arith.extui %lt3A_63 : i1 to i32
      %cond3A_65 = arith.constant 0 : i32
      %cond3A_66 = arith.cmpi ne, %convert_element_type3A_64, %cond3A_65 : i32
      scf.if %cond3A_66 {
        %add3A_230 = arith.constant 4 : i32
        %add3A_231 = arith.addi %add3A_57, %add3A_230 : i32
        %sub3A_232 = arith.constant 1 : i32
        %sub3A_233 = arith.subi %add3A_231, %sub3A_232 : i32
        %mul3A_234 = arith.constant 16 : i32
        %mul3A_235 = arith.muli %sub3A_233, %mul3A_234 : i32
        %dma_start3A_236 = arith.constant 3 : i32
        %dma_start3A_237 = arith.constant 0 : i32
        %dma_start3A_238 = arith.constant 0 : i32
        %dma_start3A_239 = tpu.memref_slice %arg6[%dma_start3A_236, %dma_start3A_237, %dma_start3A_238] : memref<4x16x1024xf32, #tpu.memory_space<vmem>> -> memref<1x16x1024xf32, #tpu.memory_space<vmem>>
        %dma_start3A_240 = tpu.memref_squeeze %dma_start3A_239 : memref<1x16x1024xf32, #tpu.memory_space<vmem>> -> memref<16x1024xf32, #tpu.memory_space<vmem>>
        %dma_start3A_241 = tpu.memref_slice %arg5[%mul3A_235] : memref<512xi32, #tpu.memory_space<vmem>> -> memref<16xi32, #tpu.memory_space<vmem>>
        %dma_start3A_242 = arith.constant 0 : i32
        %dma_start3A_243 = arith.constant 0 : i32
        %dma_start3A_244 = tpu.memref_slice %arg2[%dma_start3A_242, %dma_start3A_243] : memref<1024x1024xf32, #tpu.memory_space<hbm>> -> memref<1024x1024xf32, #tpu.memory_space<hbm>>
        tpu.enqueue_indirect_dma source(%dma_start3A_244 : memref<1024x1024xf32, #tpu.memory_space<hbm>>) target(%dma_start3A_240 : memref<16x1024xf32, #tpu.memory_space<vmem>>) offsets(%dma_start3A_241 : memref<16xi32, #tpu.memory_space<vmem>>) semaphore(%arg10 : memref<!tpu.dma_semaphore, #tpu.memory_space<semaphore_mem>>)
      } else {
      }
      %mul3A_67 = arith.constant 16 : i32
      %mul3A_68 = arith.muli %add3A_57, %mul3A_67 : i32
      %dma_wait3A_69 = arith.constant 0 : i32
      %dma_wait3A_70 = arith.constant 0 : i32
      %dma_wait3A_71 = arith.constant 0 : i32
      %dma_wait3A_72 = tpu.memref_slice %arg6[%dma_wait3A_69, %dma_wait3A_70, %dma_wait3A_71] : memref<4x16x1024xf32, #tpu.memory_space<vmem>> -> memref<1x16x1024xf32, #tpu.memory_space<vmem>>
      %dma_wait3A_73 = tpu.memref_squeeze %dma_wait3A_72 : memref<1x16x1024xf32, #tpu.memory_space<vmem>> -> memref<16x1024xf32, #tpu.memory_space<vmem>>
      %dma_wait3A_74 = tpu.memref_slice %arg5[%mul3A_68] : memref<512xi32, #tpu.memory_space<vmem>> -> memref<16xi32, #tpu.memory_space<vmem>>
      %dma_wait3A_75 = arith.constant 0 : i32
      %dma_wait3A_76 = arith.constant 0 : i32
      %dma_wait3A_77 = tpu.memref_slice %arg2[%dma_wait3A_75, %dma_wait3A_76] : memref<1024x1024xf32, #tpu.memory_space<hbm>> -> memref<1024x1024xf32, #tpu.memory_space<hbm>>
      tpu.wait_indirect_dma semaphore(%arg7 : memref<!tpu.dma_semaphore, #tpu.memory_space<semaphore_mem>>) src(%dma_wait3A_77 : memref<1024x1024xf32, #tpu.memory_space<hbm>>) dst(%dma_wait3A_73 : memref<16x1024xf32, #tpu.memory_space<vmem>>)
      %mul3A_78 = arith.constant 16 : i32
      %mul3A_79 = arith.muli %add3A_57, %mul3A_78 : i32
      %add3A_80 = arith.addi %mul3A_2, %mul3A_79 : i32
      %dma_start3A_81 = arith.constant 0 : i32
      %dma_start3A_82 = arith.constant 0 : i32
      %dma_start3A_83 = arith.constant 0 : i32
      %dma_start3A_84 = tpu.memref_slice %arg6[%dma_start3A_81, %dma_start3A_82, %dma_start3A_83] : memref<4x16x1024xf32, #tpu.memory_space<vmem>> -> memref<1x16x1024xf32, #tpu.memory_space<vmem>>
      %dma_start3A_85 = tpu.memref_squeeze %dma_start3A_84 : memref<1x16x1024xf32, #tpu.memory_space<vmem>> -> memref<16x1024xf32, #tpu.memory_space<vmem>>
      %dma_start3A_86 = arith.constant 0 : i32
      %dma_start3A_87 = tpu.memref_slice %arg4[%add3A_80, %dma_start3A_86] : memref<16384x1024xf32, #tpu.memory_space<hbm>> -> memref<16x1024xf32, #tpu.memory_space<hbm>>
      %dma_start3A_88 = arith.constant 0 : i32
      %dma_start3A_89 = tpu.memref_slice %arg4[%add3A_80, %dma_start3A_88] : memref<16384x1024xf32, #tpu.memory_space<hbm>> -> memref<16x1024xf32, #tpu.memory_space<hbm>>
      %dma_start3A_90 = arith.constant 0 : i32
      %dma_start3A_91 = arith.constant 0 : i32
      %dma_start3A_92 = tpu.memref_slice %arg6[%dma_start3A_81, %dma_start3A_90, %dma_start3A_91] : memref<4x16x1024xf32, #tpu.memory_space<vmem>> -> memref<1x16x1024xf32, #tpu.memory_space<vmem>>
      %dma_start3A_93 = tpu.memref_squeeze %dma_start3A_92 : memref<1x16x1024xf32, #tpu.memory_space<vmem>> -> memref<16x1024xf32, #tpu.memory_space<vmem>>
      tpu.enqueue_dma source(%dma_start3A_93 : memref<16x1024xf32, #tpu.memory_space<vmem>>) target(%dma_start3A_89 : memref<16x1024xf32, #tpu.memory_space<hbm>>) target_semaphore(%arg11 : memref<!tpu.dma_semaphore, #tpu.memory_space<semaphore_mem>>)
      %mul3A_94 = arith.constant 4 : i32
      %mul3A_95 = arith.muli %mul3A_94, %scan3A_52 : i32
      %add3A_96 = arith.constant 1 : i32
      %add3A_97 = arith.addi %mul3A_95, %add3A_96 : i32
      %ge3A_98 = arith.constant 1 : i32
      %ge3A_99 = arith.cmpi sge, %add3A_97, %ge3A_98 : i32
      %convert_element_type3A_100 = arith.extui %ge3A_99 : i1 to i32
      %cond3A_101 = arith.constant 0 : i32
      %cond3A_102 = arith.cmpi ne, %convert_element_type3A_100, %cond3A_101 : i32
      scf.if %cond3A_102 {
        %sub3A_230 = arith.constant 1 : i32
        %sub3A_231 = arith.subi %add3A_97, %sub3A_230 : i32
        %mul3A_232 = arith.constant 16 : i32
        %mul3A_233 = arith.muli %sub3A_231, %mul3A_232 : i32
        %add3A_234 = arith.addi %mul3A_2, %mul3A_233 : i32
        %dma_wait3A_235 = arith.constant 0 : i32
        %dma_wait3A_236 = arith.constant 0 : i32
        %dma_wait3A_237 = arith.constant 0 : i32
        %dma_wait3A_238 = tpu.memref_slice %arg6[%dma_wait3A_235, %dma_wait3A_236, %dma_wait3A_237] : memref<4x16x1024xf32, #tpu.memory_space<vmem>> -> memref<1x16x1024xf32, #tpu.memory_space<vmem>>
        %dma_wait3A_239 = tpu.memref_squeeze %dma_wait3A_238 : memref<1x16x1024xf32, #tpu.memory_space<vmem>> -> memref<16x1024xf32, #tpu.memory_space<vmem>>
        %dma_wait3A_240 = arith.constant 0 : i32
        %dma_wait3A_241 = tpu.memref_slice %arg4[%add3A_234, %dma_wait3A_240] : memref<16384x1024xf32, #tpu.memory_space<hbm>> -> memref<16x1024xf32, #tpu.memory_space<hbm>>
        %dma_wait3A_242 = arith.constant 0 : i32
        %dma_wait3A_243 = tpu.memref_slice %arg4[%add3A_234, %dma_wait3A_242] : memref<16384x1024xf32, #tpu.memory_space<hbm>> -> memref<16x1024xf32, #tpu.memory_space<hbm>>
        %dma_wait3A_244 = arith.constant 0 : i32
        %dma_wait3A_245 = arith.constant 0 : i32
        %dma_wait3A_246 = tpu.memref_slice %arg6[%dma_wait3A_235, %dma_wait3A_244, %dma_wait3A_245] : memref<4x16x1024xf32, #tpu.memory_space<vmem>> -> memref<1x16x1024xf32, #tpu.memory_space<vmem>>
        %dma_wait3A_247 = tpu.memref_squeeze %dma_wait3A_246 : memref<1x16x1024xf32, #tpu.memory_space<vmem>> -> memref<16x1024xf32, #tpu.memory_space<vmem>>
        tpu.wait_dma2 semaphore(%arg11 : memref<!tpu.dma_semaphore, #tpu.memory_space<semaphore_mem>>) src(%dma_wait3A_247 : memref<16x1024xf32, #tpu.memory_space<vmem>>) dst(%dma_wait3A_243 : memref<16x1024xf32, #tpu.memory_space<hbm>>)
      } else {
      }
      %add3A_103 = arith.constant 4 : i32
      %add3A_104 = arith.addi %add3A_97, %add3A_103 : i32
      %sub3A_105 = arith.constant 1 : i32
      %sub3A_106 = arith.subi %add3A_104, %sub3A_105 : i32
      %lt3A_107 = arith.constant 32 : i32
      %lt3A_108 = arith.cmpi slt, %sub3A_106, %lt3A_107 : i32
      %convert_element_type3A_109 = arith.extui %lt3A_108 : i1 to i32
      %cond3A_110 = arith.constant 0 : i32
      %cond3A_111 = arith.cmpi ne, %convert_element_type3A_109, %cond3A_110 : i32
      scf.if %cond3A_111 {
        %add3A_230 = arith.constant 4 : i32
        %add3A_231 = arith.addi %add3A_97, %add3A_230 : i32
        %sub3A_232 = arith.constant 1 : i32
        %sub3A_233 = arith.subi %add3A_231, %sub3A_232 : i32
        %mul3A_234 = arith.constant 16 : i32
        %mul3A_235 = arith.muli %sub3A_233, %mul3A_234 : i32
        %dma_start3A_236 = arith.constant 0 : i32
        %dma_start3A_237 = arith.constant 0 : i32
        %dma_start3A_238 = arith.constant 0 : i32
        %dma_start3A_239 = tpu.memref_slice %arg6[%dma_start3A_236, %dma_start3A_237, %dma_start3A_238] : memref<4x16x1024xf32, #tpu.memory_space<vmem>> -> memref<1x16x1024xf32, #tpu.memory_space<vmem>>
        %dma_start3A_240 = tpu.memref_squeeze %dma_start3A_239 : memref<1x16x1024xf32, #tpu.memory_space<vmem>> -> memref<16x1024xf32, #tpu.memory_space<vmem>>
        %dma_start3A_241 = tpu.memref_slice %arg5[%mul3A_235] : memref<512xi32, #tpu.memory_space<vmem>> -> memref<16xi32, #tpu.memory_space<vmem>>
        %dma_start3A_242 = arith.constant 0 : i32
        %dma_start3A_243 = arith.constant 0 : i32
        %dma_start3A_244 = tpu.memref_slice %arg2[%dma_start3A_242, %dma_start3A_243] : memref<1024x1024xf32, #tpu.memory_space<hbm>> -> memref<1024x1024xf32, #tpu.memory_space<hbm>>
        tpu.enqueue_indirect_dma source(%dma_start3A_244 : memref<1024x1024xf32, #tpu.memory_space<hbm>>) target(%dma_start3A_240 : memref<16x1024xf32, #tpu.memory_space<vmem>>) offsets(%dma_start3A_241 : memref<16xi32, #tpu.memory_space<vmem>>) semaphore(%arg7 : memref<!tpu.dma_semaphore, #tpu.memory_space<semaphore_mem>>)
      } else {
      }
      %mul3A_112 = arith.constant 16 : i32
      %mul3A_113 = arith.muli %add3A_97, %mul3A_112 : i32
      %dma_wait3A_114 = arith.constant 1 : i32
      %dma_wait3A_115 = arith.constant 0 : i32
      %dma_wait3A_116 = arith.constant 0 : i32
      %dma_wait3A_117 = tpu.memref_slice %arg6[%dma_wait3A_114, %dma_wait3A_115, %dma_wait3A_116] : memref<4x16x1024xf32, #tpu.memory_space<vmem>> -> memref<1x16x1024xf32, #tpu.memory_space<vmem>>
      %dma_wait3A_118 = tpu.memref_squeeze %dma_wait3A_117 : memref<1x16x1024xf32, #tpu.memory_space<vmem>> -> memref<16x1024xf32, #tpu.memory_space<vmem>>
      %dma_wait3A_119 = tpu.memref_slice %arg5[%mul3A_113] : memref<512xi32, #tpu.memory_space<vmem>> -> memref<16xi32, #tpu.memory_space<vmem>>
      %dma_wait3A_120 = arith.constant 0 : i32
      %dma_wait3A_121 = arith.constant 0 : i32
      %dma_wait3A_122 = tpu.memref_slice %arg2[%dma_wait3A_120, %dma_wait3A_121] : memref<1024x1024xf32, #tpu.memory_space<hbm>> -> memref<1024x1024xf32, #tpu.memory_space<hbm>>
      tpu.wait_indirect_dma semaphore(%arg8 : memref<!tpu.dma_semaphore, #tpu.memory_space<semaphore_mem>>) src(%dma_wait3A_122 : memref<1024x1024xf32, #tpu.memory_space<hbm>>) dst(%dma_wait3A_118 : memref<16x1024xf32, #tpu.memory_space<vmem>>)
      %mul3A_123 = arith.constant 16 : i32
      %mul3A_124 = arith.muli %add3A_97, %mul3A_123 : i32
      %add3A_125 = arith.addi %mul3A_2, %mul3A_124 : i32
      %dma_start3A_126 = arith.constant 1 : i32
      %dma_start3A_127 = arith.constant 0 : i32
      %dma_start3A_128 = arith.constant 0 : i32
      %dma_start3A_129 = tpu.memref_slice %arg6[%dma_start3A_126, %dma_start3A_127, %dma_start3A_128] : memref<4x16x1024xf32, #tpu.memory_space<vmem>> -> memref<1x16x1024xf32, #tpu.memory_space<vmem>>
      %dma_start3A_130 = tpu.memref_squeeze %dma_start3A_129 : memref<1x16x1024xf32, #tpu.memory_space<vmem>> -> memref<16x1024xf32, #tpu.memory_space<vmem>>
      %dma_start3A_131 = arith.constant 0 : i32
      %dma_start3A_132 = tpu.memref_slice %arg4[%add3A_125, %dma_start3A_131] : memref<16384x1024xf32, #tpu.memory_space<hbm>> -> memref<16x1024xf32, #tpu.memory_space<hbm>>
      %dma_start3A_133 = arith.constant 0 : i32
      %dma_start3A_134 = tpu.memref_slice %arg4[%add3A_125, %dma_start3A_133] : memref<16384x1024xf32, #tpu.memory_space<hbm>> -> memref<16x1024xf32, #tpu.memory_space<hbm>>
      %dma_start3A_135 = arith.constant 0 : i32
      %dma_start3A_136 = arith.constant 0 : i32
      %dma_start3A_137 = tpu.memref_slice %arg6[%dma_start3A_126, %dma_start3A_135, %dma_start3A_136] : memref<4x16x1024xf32, #tpu.memory_space<vmem>> -> memref<1x16x1024xf32, #tpu.memory_space<vmem>>
      %dma_start3A_138 = tpu.memref_squeeze %dma_start3A_137 : memref<1x16x1024xf32, #tpu.memory_space<vmem>> -> memref<16x1024xf32, #tpu.memory_space<vmem>>
      tpu.enqueue_dma source(%dma_start3A_138 : memref<16x1024xf32, #tpu.memory_space<vmem>>) target(%dma_start3A_134 : memref<16x1024xf32, #tpu.memory_space<hbm>>) target_semaphore(%arg12 : memref<!tpu.dma_semaphore, #tpu.memory_space<semaphore_mem>>)
      %mul3A_139 = arith.constant 4 : i32
      %mul3A_140 = arith.muli %mul3A_139, %scan3A_52 : i32
      %add3A_141 = arith.constant 2 : i32
      %add3A_142 = arith.addi %mul3A_140, %add3A_141 : i32
      %ge3A_143 = arith.constant 1 : i32
      %ge3A_144 = arith.cmpi sge, %add3A_142, %ge3A_143 : i32
      %convert_element_type3A_145 = arith.extui %ge3A_144 : i1 to i32
      %cond3A_146 = arith.constant 0 : i32
      %cond3A_147 = arith.cmpi ne, %convert_element_type3A_145, %cond3A_146 : i32
      scf.if %cond3A_147 {
        %sub3A_230 = arith.constant 1 : i32
        %sub3A_231 = arith.subi %add3A_142, %sub3A_230 : i32
        %mul3A_232 = arith.constant 16 : i32
        %mul3A_233 = arith.muli %sub3A_231, %mul3A_232 : i32
        %add3A_234 = arith.addi %mul3A_2, %mul3A_233 : i32
        %dma_wait3A_235 = arith.constant 1 : i32
        %dma_wait3A_236 = arith.constant 0 : i32
        %dma_wait3A_237 = arith.constant 0 : i32
        %dma_wait3A_238 = tpu.memref_slice %arg6[%dma_wait3A_235, %dma_wait3A_236, %dma_wait3A_237] : memref<4x16x1024xf32, #tpu.memory_space<vmem>> -> memref<1x16x1024xf32, #tpu.memory_space<vmem>>
        %dma_wait3A_239 = tpu.memref_squeeze %dma_wait3A_238 : memref<1x16x1024xf32, #tpu.memory_space<vmem>> -> memref<16x1024xf32, #tpu.memory_space<vmem>>
        %dma_wait3A_240 = arith.constant 0 : i32
        %dma_wait3A_241 = tpu.memref_slice %arg4[%add3A_234, %dma_wait3A_240] : memref<16384x1024xf32, #tpu.memory_space<hbm>> -> memref<16x1024xf32, #tpu.memory_space<hbm>>
        %dma_wait3A_242 = arith.constant 0 : i32
        %dma_wait3A_243 = tpu.memref_slice %arg4[%add3A_234, %dma_wait3A_242] : memref<16384x1024xf32, #tpu.memory_space<hbm>> -> memref<16x1024xf32, #tpu.memory_space<hbm>>
        %dma_wait3A_244 = arith.constant 0 : i32
        %dma_wait3A_245 = arith.constant 0 : i32
        %dma_wait3A_246 = tpu.memref_slice %arg6[%dma_wait3A_235, %dma_wait3A_244, %dma_wait3A_245] : memref<4x16x1024xf32, #tpu.memory_space<vmem>> -> memref<1x16x1024xf32, #tpu.memory_space<vmem>>
        %dma_wait3A_247 = tpu.memref_squeeze %dma_wait3A_246 : memref<1x16x1024xf32, #tpu.memory_space<vmem>> -> memref<16x1024xf32, #tpu.memory_space<vmem>>
        tpu.wait_dma2 semaphore(%arg12 : memref<!tpu.dma_semaphore, #tpu.memory_space<semaphore_mem>>) src(%dma_wait3A_247 : memref<16x1024xf32, #tpu.memory_space<vmem>>) dst(%dma_wait3A_243 : memref<16x1024xf32, #tpu.memory_space<hbm>>)
      } else {
      }
      %add3A_148 = arith.constant 4 : i32
      %add3A_149 = arith.addi %add3A_142, %add3A_148 : i32
      %sub3A_150 = arith.constant 1 : i32
      %sub3A_151 = arith.subi %add3A_149, %sub3A_150 : i32
      %lt3A_152 = arith.constant 32 : i32
      %lt3A_153 = arith.cmpi slt, %sub3A_151, %lt3A_152 : i32
      %convert_element_type3A_154 = arith.extui %lt3A_153 : i1 to i32
      %cond3A_155 = arith.constant 0 : i32
      %cond3A_156 = arith.cmpi ne, %convert_element_type3A_154, %cond3A_155 : i32
      scf.if %cond3A_156 {
        %add3A_230 = arith.constant 4 : i32
        %add3A_231 = arith.addi %add3A_142, %add3A_230 : i32
        %sub3A_232 = arith.constant 1 : i32
        %sub3A_233 = arith.subi %add3A_231, %sub3A_232 : i32
        %mul3A_234 = arith.constant 16 : i32
        %mul3A_235 = arith.muli %sub3A_233, %mul3A_234 : i32
        %dma_start3A_236 = arith.constant 1 : i32
        %dma_start3A_237 = arith.constant 0 : i32
        %dma_start3A_238 = arith.constant 0 : i32
        %dma_start3A_239 = tpu.memref_slice %arg6[%dma_start3A_236, %dma_start3A_237, %dma_start3A_238] : memref<4x16x1024xf32, #tpu.memory_space<vmem>> -> memref<1x16x1024xf32, #tpu.memory_space<vmem>>
        %dma_start3A_240 = tpu.memref_squeeze %dma_start3A_239 : memref<1x16x1024xf32, #tpu.memory_space<vmem>> -> memref<16x1024xf32, #tpu.memory_space<vmem>>
        %dma_start3A_241 = tpu.memref_slice %arg5[%mul3A_235] : memref<512xi32, #tpu.memory_space<vmem>> -> memref<16xi32, #tpu.memory_space<vmem>>
        %dma_start3A_242 = arith.constant 0 : i32
        %dma_start3A_243 = arith.constant 0 : i32
        %dma_start3A_244 = tpu.memref_slice %arg2[%dma_start3A_242, %dma_start3A_243] : memref<1024x1024xf32, #tpu.memory_space<hbm>> -> memref<1024x1024xf32, #tpu.memory_space<hbm>>
        tpu.enqueue_indirect_dma source(%dma_start3A_244 : memref<1024x1024xf32, #tpu.memory_space<hbm>>) target(%dma_start3A_240 : memref<16x1024xf32, #tpu.memory_space<vmem>>) offsets(%dma_start3A_241 : memref<16xi32, #tpu.memory_space<vmem>>) semaphore(%arg8 : memref<!tpu.dma_semaphore, #tpu.memory_space<semaphore_mem>>)
      } else {
      }
      %mul3A_157 = arith.constant 16 : i32
      %mul3A_158 = arith.muli %add3A_142, %mul3A_157 : i32
      %dma_wait3A_159 = arith.constant 2 : i32
      %dma_wait3A_160 = arith.constant 0 : i32
      %dma_wait3A_161 = arith.constant 0 : i32
      %dma_wait3A_162 = tpu.memref_slice %arg6[%dma_wait3A_159, %dma_wait3A_160, %dma_wait3A_161] : memref<4x16x1024xf32, #tpu.memory_space<vmem>> -> memref<1x16x1024xf32, #tpu.memory_space<vmem>>
      %dma_wait3A_163 = tpu.memref_squeeze %dma_wait3A_162 : memref<1x16x1024xf32, #tpu.memory_space<vmem>> -> memref<16x1024xf32, #tpu.memory_space<vmem>>
      %dma_wait3A_164 = tpu.memref_slice %arg5[%mul3A_158] : memref<512xi32, #tpu.memory_space<vmem>> -> memref<16xi32, #tpu.memory_space<vmem>>
      %dma_wait3A_165 = arith.constant 0 : i32
      %dma_wait3A_166 = arith.constant 0 : i32
      %dma_wait3A_167 = tpu.memref_slice %arg2[%dma_wait3A_165, %dma_wait3A_166] : memref<1024x1024xf32, #tpu.memory_space<hbm>> -> memref<1024x1024xf32, #tpu.memory_space<hbm>>
      tpu.wait_indirect_dma semaphore(%arg9 : memref<!tpu.dma_semaphore, #tpu.memory_space<semaphore_mem>>) src(%dma_wait3A_167 : memref<1024x1024xf32, #tpu.memory_space<hbm>>) dst(%dma_wait3A_163 : memref<16x1024xf32, #tpu.memory_space<vmem>>)
      %mul3A_168 = arith.constant 16 : i32
      %mul3A_169 = arith.muli %add3A_142, %mul3A_168 : i32
      %add3A_170 = arith.addi %mul3A_2, %mul3A_169 : i32
      %dma_start3A_171 = arith.constant 2 : i32
      %dma_start3A_172 = arith.constant 0 : i32
      %dma_start3A_173 = arith.constant 0 : i32
      %dma_start3A_174 = tpu.memref_slice %arg6[%dma_start3A_171, %dma_start3A_172, %dma_start3A_173] : memref<4x16x1024xf32, #tpu.memory_space<vmem>> -> memref<1x16x1024xf32, #tpu.memory_space<vmem>>
      %dma_start3A_175 = tpu.memref_squeeze %dma_start3A_174 : memref<1x16x1024xf32, #tpu.memory_space<vmem>> -> memref<16x1024xf32, #tpu.memory_space<vmem>>
      %dma_start3A_176 = arith.constant 0 : i32
      %dma_start3A_177 = tpu.memref_slice %arg4[%add3A_170, %dma_start3A_176] : memref<16384x1024xf32, #tpu.memory_space<hbm>> -> memref<16x1024xf32, #tpu.memory_space<hbm>>
      %dma_start3A_178 = arith.constant 0 : i32
      %dma_start3A_179 = tpu.memref_slice %arg4[%add3A_170, %dma_start3A_178] : memref<16384x1024xf32, #tpu.memory_space<hbm>> -> memref<16x1024xf32, #tpu.memory_space<hbm>>
      %dma_start3A_180 = arith.constant 0 : i32
      %dma_start3A_181 = arith.constant 0 : i32
      %dma_start3A_182 = tpu.memref_slice %arg6[%dma_start3A_171, %dma_start3A_180, %dma_start3A_181] : memref<4x16x1024xf32, #tpu.memory_space<vmem>> -> memref<1x16x1024xf32, #tpu.memory_space<vmem>>
      %dma_start3A_183 = tpu.memref_squeeze %dma_start3A_182 : memref<1x16x1024xf32, #tpu.memory_space<vmem>> -> memref<16x1024xf32, #tpu.memory_space<vmem>>
      tpu.enqueue_dma source(%dma_start3A_183 : memref<16x1024xf32, #tpu.memory_space<vmem>>) target(%dma_start3A_179 : memref<16x1024xf32, #tpu.memory_space<hbm>>) target_semaphore(%arg13 : memref<!tpu.dma_semaphore, #tpu.memory_space<semaphore_mem>>)
      %mul3A_184 = arith.constant 4 : i32
      %mul3A_185 = arith.muli %mul3A_184, %scan3A_52 : i32
      %add3A_186 = arith.constant 3 : i32
      %add3A_187 = arith.addi %mul3A_185, %add3A_186 : i32
      %ge3A_188 = arith.constant 1 : i32
      %ge3A_189 = arith.cmpi sge, %add3A_187, %ge3A_188 : i32
      %convert_element_type3A_190 = arith.extui %ge3A_189 : i1 to i32
      %cond3A_191 = arith.constant 0 : i32
      %cond3A_192 = arith.cmpi ne, %convert_element_type3A_190, %cond3A_191 : i32
      scf.if %cond3A_192 {
        %sub3A_230 = arith.constant 1 : i32
        %sub3A_231 = arith.subi %add3A_187, %sub3A_230 : i32
        %mul3A_232 = arith.constant 16 : i32
        %mul3A_233 = arith.muli %sub3A_231, %mul3A_232 : i32
        %add3A_234 = arith.addi %mul3A_2, %mul3A_233 : i32
        %dma_wait3A_235 = arith.constant 2 : i32
        %dma_wait3A_236 = arith.constant 0 : i32
        %dma_wait3A_237 = arith.constant 0 : i32
        %dma_wait3A_238 = tpu.memref_slice %arg6[%dma_wait3A_235, %dma_wait3A_236, %dma_wait3A_237] : memref<4x16x1024xf32, #tpu.memory_space<vmem>> -> memref<1x16x1024xf32, #tpu.memory_space<vmem>>
        %dma_wait3A_239 = tpu.memref_squeeze %dma_wait3A_238 : memref<1x16x1024xf32, #tpu.memory_space<vmem>> -> memref<16x1024xf32, #tpu.memory_space<vmem>>
        %dma_wait3A_240 = arith.constant 0 : i32
        %dma_wait3A_241 = tpu.memref_slice %arg4[%add3A_234, %dma_wait3A_240] : memref<16384x1024xf32, #tpu.memory_space<hbm>> -> memref<16x1024xf32, #tpu.memory_space<hbm>>
        %dma_wait3A_242 = arith.constant 0 : i32
        %dma_wait3A_243 = tpu.memref_slice %arg4[%add3A_234, %dma_wait3A_242] : memref<16384x1024xf32, #tpu.memory_space<hbm>> -> memref<16x1024xf32, #tpu.memory_space<hbm>>
        %dma_wait3A_244 = arith.constant 0 : i32
        %dma_wait3A_245 = arith.constant 0 : i32
        %dma_wait3A_246 = tpu.memref_slice %arg6[%dma_wait3A_235, %dma_wait3A_244, %dma_wait3A_245] : memref<4x16x1024xf32, #tpu.memory_space<vmem>> -> memref<1x16x1024xf32, #tpu.memory_space<vmem>>
        %dma_wait3A_247 = tpu.memref_squeeze %dma_wait3A_246 : memref<1x16x1024xf32, #tpu.memory_space<vmem>> -> memref<16x1024xf32, #tpu.memory_space<vmem>>
        tpu.wait_dma2 semaphore(%arg13 : memref<!tpu.dma_semaphore, #tpu.memory_space<semaphore_mem>>) src(%dma_wait3A_247 : memref<16x1024xf32, #tpu.memory_space<vmem>>) dst(%dma_wait3A_243 : memref<16x1024xf32, #tpu.memory_space<hbm>>)
      } else {
      }
      %add3A_193 = arith.constant 4 : i32
      %add3A_194 = arith.addi %add3A_187, %add3A_193 : i32
      %sub3A_195 = arith.constant 1 : i32
      %sub3A_196 = arith.subi %add3A_194, %sub3A_195 : i32
      %lt3A_197 = arith.constant 32 : i32
      %lt3A_198 = arith.cmpi slt, %sub3A_196, %lt3A_197 : i32
      %convert_element_type3A_199 = arith.extui %lt3A_198 : i1 to i32
      %cond3A_200 = arith.constant 0 : i32
      %cond3A_201 = arith.cmpi ne, %convert_element_type3A_199, %cond3A_200 : i32
      scf.if %cond3A_201 {
        %add3A_230 = arith.constant 4 : i32
        %add3A_231 = arith.addi %add3A_187, %add3A_230 : i32
        %sub3A_232 = arith.constant 1 : i32
        %sub3A_233 = arith.subi %add3A_231, %sub3A_232 : i32
        %mul3A_234 = arith.constant 16 : i32
        %mul3A_235 = arith.muli %sub3A_233, %mul3A_234 : i32
        %dma_start3A_236 = arith.constant 2 : i32
        %dma_start3A_237 = arith.constant 0 : i32
        %dma_start3A_238 = arith.constant 0 : i32
        %dma_start3A_239 = tpu.memref_slice %arg6[%dma_start3A_236, %dma_start3A_237, %dma_start3A_238] : memref<4x16x1024xf32, #tpu.memory_space<vmem>> -> memref<1x16x1024xf32, #tpu.memory_space<vmem>>
        %dma_start3A_240 = tpu.memref_squeeze %dma_start3A_239 : memref<1x16x1024xf32, #tpu.memory_space<vmem>> -> memref<16x1024xf32, #tpu.memory_space<vmem>>
        %dma_start3A_241 = tpu.memref_slice %arg5[%mul3A_235] : memref<512xi32, #tpu.memory_space<vmem>> -> memref<16xi32, #tpu.memory_space<vmem>>
        %dma_start3A_242 = arith.constant 0 : i32
        %dma_start3A_243 = arith.constant 0 : i32
        %dma_start3A_244 = tpu.memref_slice %arg2[%dma_start3A_242, %dma_start3A_243] : memref<1024x1024xf32, #tpu.memory_space<hbm>> -> memref<1024x1024xf32, #tpu.memory_space<hbm>>
        tpu.enqueue_indirect_dma source(%dma_start3A_244 : memref<1024x1024xf32, #tpu.memory_space<hbm>>) target(%dma_start3A_240 : memref<16x1024xf32, #tpu.memory_space<vmem>>) offsets(%dma_start3A_241 : memref<16xi32, #tpu.memory_space<vmem>>) semaphore(%arg9 : memref<!tpu.dma_semaphore, #tpu.memory_space<semaphore_mem>>)
      } else {
      }
      %mul3A_202 = arith.constant 16 : i32
      %mul3A_203 = arith.muli %add3A_187, %mul3A_202 : i32
      %dma_wait3A_204 = arith.constant 3 : i32
      %dma_wait3A_205 = arith.constant 0 : i32
      %dma_wait3A_206 = arith.constant 0 : i32
      %dma_wait3A_207 = tpu.memref_slice %arg6[%dma_wait3A_204, %dma_wait3A_205, %dma_wait3A_206] : memref<4x16x1024xf32, #tpu.memory_space<vmem>> -> memref<1x16x1024xf32, #tpu.memory_space<vmem>>
      %dma_wait3A_208 = tpu.memref_squeeze %dma_wait3A_207 : memref<1x16x1024xf32, #tpu.memory_space<vmem>> -> memref<16x1024xf32, #tpu.memory_space<vmem>>
      %dma_wait3A_209 = tpu.memref_slice %arg5[%mul3A_203] : memref<512xi32, #tpu.memory_space<vmem>> -> memref<16xi32, #tpu.memory_space<vmem>>
      %dma_wait3A_210 = arith.constant 0 : i32
      %dma_wait3A_211 = arith.constant 0 : i32
      %dma_wait3A_212 = tpu.memref_slice %arg2[%dma_wait3A_210, %dma_wait3A_211] : memref<1024x1024xf32, #tpu.memory_space<hbm>> -> memref<1024x1024xf32, #tpu.memory_space<hbm>>
      tpu.wait_indirect_dma semaphore(%arg10 : memref<!tpu.dma_semaphore, #tpu.memory_space<semaphore_mem>>) src(%dma_wait3A_212 : memref<1024x1024xf32, #tpu.memory_space<hbm>>) dst(%dma_wait3A_208 : memref<16x1024xf32, #tpu.memory_space<vmem>>)
      %mul3A_213 = arith.constant 16 : i32
      %mul3A_214 = arith.muli %add3A_187, %mul3A_213 : i32
      %add3A_215 = arith.addi %mul3A_2, %mul3A_214 : i32
      %dma_start3A_216 = arith.constant 3 : i32
      %dma_start3A_217 = arith.constant 0 : i32
      %dma_start3A_218 = arith.constant 0 : i32
      %dma_start3A_219 = tpu.memref_slice %arg6[%dma_start3A_216, %dma_start3A_217, %dma_start3A_218] : memref<4x16x1024xf32, #tpu.memory_space<vmem>> -> memref<1x16x1024xf32, #tpu.memory_space<vmem>>
      %dma_start3A_220 = tpu.memref_squeeze %dma_start3A_219 : memref<1x16x1024xf32, #tpu.memory_space<vmem>> -> memref<16x1024xf32, #tpu.memory_space<vmem>>
      %dma_start3A_221 = arith.constant 0 : i32
      %dma_start3A_222 = tpu.memref_slice %arg4[%add3A_215, %dma_start3A_221] : memref<16384x1024xf32, #tpu.memory_space<hbm>> -> memref<16x1024xf32, #tpu.memory_space<hbm>>
      %dma_start3A_223 = arith.constant 0 : i32
      %dma_start3A_224 = tpu.memref_slice %arg4[%add3A_215, %dma_start3A_223] : memref<16384x1024xf32, #tpu.memory_space<hbm>> -> memref<16x1024xf32, #tpu.memory_space<hbm>>
      %dma_start3A_225 = arith.constant 0 : i32
      %dma_start3A_226 = arith.constant 0 : i32
      %dma_start3A_227 = tpu.memref_slice %arg6[%dma_start3A_216, %dma_start3A_225, %dma_start3A_226] : memref<4x16x1024xf32, #tpu.memory_space<vmem>> -> memref<1x16x1024xf32, #tpu.memory_space<vmem>>
      %dma_start3A_228 = tpu.memref_squeeze %dma_start3A_227 : memref<1x16x1024xf32, #tpu.memory_space<vmem>> -> memref<16x1024xf32, #tpu.memory_space<vmem>>
      tpu.enqueue_dma source(%dma_start3A_228 : memref<16x1024xf32, #tpu.memory_space<vmem>>) target(%dma_start3A_224 : memref<16x1024xf32, #tpu.memory_space<hbm>>) target_semaphore(%arg14 : memref<!tpu.dma_semaphore, #tpu.memory_space<semaphore_mem>>)
      %scan3A_229 = arith.constant 0 : i32
      scf.yield %scan3A_229 : i32
    }
    %scan3A_37 = arith.constant 8 : i32
    %add3A_38 = arith.constant 496 : i32
    %add3A_39 = arith.addi %mul3A_2, %add3A_38 : i32
    %dma_wait3A = arith.constant 3 : i32
    %dma_wait3A_40 = arith.constant 0 : i32
    %dma_wait3A_41 = arith.constant 0 : i32
    %dma_wait3A_42 = tpu.memref_slice %arg6[%dma_wait3A, %dma_wait3A_40, %dma_wait3A_41] : memref<4x16x1024xf32, #tpu.memory_space<vmem>> -> memref<1x16x1024xf32, #tpu.memory_space<vmem>>
    %dma_wait3A_43 = tpu.memref_squeeze %dma_wait3A_42 : memref<1x16x1024xf32, #tpu.memory_space<vmem>> -> memref<16x1024xf32, #tpu.memory_space<vmem>>
    %dma_wait3A_44 = arith.constant 0 : i32
    %dma_wait3A_45 = tpu.memref_slice %arg4[%add3A_39, %dma_wait3A_44] : memref<16384x1024xf32, #tpu.memory_space<hbm>> -> memref<16x1024xf32, #tpu.memory_space<hbm>>
    %dma_wait3A_46 = arith.constant 0 : i32
    %dma_wait3A_47 = tpu.memref_slice %arg4[%add3A_39, %dma_wait3A_46] : memref<16384x1024xf32, #tpu.memory_space<hbm>> -> memref<16x1024xf32, #tpu.memory_space<hbm>>
    %dma_wait3A_48 = arith.constant 0 : i32
    %dma_wait3A_49 = arith.constant 0 : i32
    %dma_wait3A_50 = tpu.memref_slice %arg6[%dma_wait3A, %dma_wait3A_48, %dma_wait3A_49] : memref<4x16x1024xf32, #tpu.memory_space<vmem>> -> memref<1x16x1024xf32, #tpu.memory_space<vmem>>
    %dma_wait3A_51 = tpu.memref_squeeze %dma_wait3A_50 : memref<1x16x1024xf32, #tpu.memory_space<vmem>> -> memref<16x1024xf32, #tpu.memory_space<vmem>>
    tpu.wait_dma2 semaphore(%arg14 : memref<!tpu.dma_semaphore, #tpu.memory_space<semaphore_mem>>) src(%dma_wait3A_51 : memref<16x1024xf32, #tpu.memory_space<vmem>>) dst(%dma_wait3A_47 : memref<16x1024xf32, #tpu.memory_space<hbm>>)
    return
  }
}

module attributes {stable_mosaic.version = 14 : i64} {
  func.func @_transpose_body(%arg0: memref<1024x1000xf32, #tpu.memory_space<vmem>>, %arg1: memref<1024x1024xf32, #tpu.memory_space<vmem>>) attributes {dimension_semantics = [], scalar_prefetch = 0 : i64, scratch_operands = 0 : i64, tpu.core_type = #tpu.core_type<tc>} {
    %get3A = arith.constant 0 : index
    %get3A_0 = arith.constant 0 : index
    %get3A_1 = vector.load %arg0[%get3A, %get3A_0] : memref<1024x1000xf32, #tpu.memory_space<vmem>>, vector<1024x1000xf32>
    %transpose3A = tpu.transpose %get3A_1, [1, 0] : vector<1024x1000xf32> -> vector<1000x1024xf32>
    %swap3A = arith.constant 0 : index
    %swap3A_2 = arith.constant 0 : index
    %swap3A_3 = vector.load %arg1[%swap3A, %swap3A_2] : memref<1024x1024xf32, #tpu.memory_space<vmem>>, vector<1000x1024xf32>
    tpu.vector_store %arg1[%swap3A, %swap3A_2], %transpose3A {strides = array<i32>} : memref<1024x1024xf32, #tpu.memory_space<vmem>>, vector<1000x1024xf32>,
    return
  }
}

</mosaic_0001>

<sc_bundles>
// kernel: kernel.4.cloned.1.call-start
scs
__scs_entry_jumppad:
0x0: {  	(pc) =	sbr.rel $0x88, $3  }
0x1: {  	(tag) =	ssettag $0x0;
	lr =	simm.s32 $0x1  }
0x2: {  	[smem:$0x3F9F] =	sst lr;
	_ =	strace $0xD0000000  }
0x3: {  	_ = 	snop  }
0x4: {  	_ = 	snop  }
0x5: {  	_ = 	snop  }
0x6: {  	_ = 	snop  }
0x7: {  	_ = 	snop  }
__scs_overlays_trampoline_lowered:
0x8: {  	[smem:$0x3FAE] =	sst s0  }
0x9: {  	[smem:$0x3FAF] =	sst s1  }
0xa: {  	[smem:$0x3FB0] =	sst s2  }
0xb: {  	[smem:$0x3FB1] =	sst s3  }
0xc: {  	[smem:$0x3FB2] =	sst s4  }
0xd: {  	[smem:$0x3FB3] =	sst s5  }
0xe: {  	[smem:$0x3FB4] =	sst s6  }
0xf: {  	[smem:$0x3FB5] =	sst s7  }
0x10: {  	[smem:$0x3FB6] =	sst s8  }
0x11: {  	[smem:$0x3FB7] =	sst s9;
	s0 =	simm.s32 @!p0 $0x0  }
0x12: {  	s1 =	sld [smem:$0x3F9D];
	s0 =	simm.s32 @p0 $0x1  }
0x13: {  	[smem:$0x3FB8] =	sst s0;
	s0 =	simm.s32 @!p1 $0x0  }
0x14: {  	s2 =	sld [smem:$0x3F9C];
	s0 =	simm.s32 @p1 $0x1  }
0x15: {  	[smem:$0x3FB9] =	sst s0;
	s0 =	simm.s32 @!p2 $0x0  }
0x16: {  	s3 =	sld [smem:$0x3FDB];
	s0 =	simm.s32 @p2 $0x1  }
0x17: {  	s4 =	simm.s32 $0x1BF5;
	[smem:$0x3FBB] =	sst s0  }
0x18: {  	s0 =	sld [smem:$0x3F9E];
	_ =	swait.ge [sflag:s4], $0x0  }
0x19: {  	s7 =	sld [smem:$0x3F9F]  }
0x1a: {  	s8 =	sadd.s32 $0xFFFFE003, lr  }
0x1b: {  	s9 =	sadd.s32 $0xFFFFFEF7, lr;
	s5 =	simm.s32 $0xFFFFFFFF;
	p2 =	slt.u32 s8, $0xFFFFF086  }
0x1c: {  	p1 =	slt.u32 s9, $0xF7A;
	s5 =	simm.s32 @!p2 $0x0  }
0x1d: {  	s5 =	simm.s32 @p1 $0x1;
	p0 =	seq.s32 s7, s2  }
0x1e: {  	s7 =	smul.u32 @!p0 $0xF7A, s2;
	p2 =	seq.s32 @!p0 s5, $0x0  }
0x1f: {  	s9 =	smul.u32 $0xF7A, s1;
	s8 =	simm.s32 @!p0 $0x1BF5;
	p2 =	por !p2, p0  }
0x20: {  	[sflag:s8] =	ssyncset.s32 @!p0 $0xFFFFF086;
	s6 =	sadd.s32 @!p0 s3, s7;
	s7 =	simm.s32 @!p0 $0x108  }
0x21: {  	s3 =	sadd.s32 s3, s9;
	s6 =	sadd.s32 @!p0 $0x88, s6;
	s7 =	simm.s32 @p2 $0x1082  }
0x22: {  	[simem:s7], [sflag:s8] =	dma.local @!p0 [hbm:s6], $0xF7A  }
0x23: {  	s9 =	sor.u32 $0xD0000000, s2;
	s6 =	simm.s32 $0x108;
	_ =	swait.ge @!p0 [sflag:s8], $0x0  }
0x24: {  	s3 =	sadd.s32 $0x88, s3;
	s6 =	simm.s32 @!p1 $0x1082;
	[sflag:s4] =	ssyncset.s32 $0xFFFFF086  }
0x25: {  	[simem:s6], [sflag:s4] =	dma.local [hbm:s3], $0xF7A  }
0x26: {  	[smem:$0x3F9F] =	sst s1;
	(tag) =	ssettag s2;
	_ =	strace s9  }
0x27: {  	s1 =	sld [smem:$0x3FAF]  }
0x28: {  	s2 =	sld [smem:$0x3FB0]  }
0x29: {  	s4 =	sld [smem:$0x3FB2]  }
0x2a: {  	p0 =	seq.s32 s5, $0x0;
	s5 =	sld [smem:$0x3FB3]  }
0x2b: {  	s6 =	sld [smem:$0x3FB4]  }
0x2c: {  	s7 =	sld [smem:$0x3FB5]  }
0x2d: {  	s3 =	simm.s32 $0x108;
	s8 =	sld [smem:$0x3FB6]  }
0x2e: {  	s3 =	simm.s32 @!p0 $0x1082;
	s9 =	sld [smem:$0x3FB7]  }
0x2f: {  	lr =	sadd.s32 s0, s3;
	s0 =	sld [smem:$0x3FAE]  }
0x30: {  	s3 =	sld [smem:$0x3FB1]  }
0x31: {  	[smem:$0x3FBA] =	sst s10  }
0x32: {  	s10 =	sld [smem:$0x3FB8];
	_ =	sdelay $0x3  }
0x33: {  	p0 =	seq.s32 s10, $0x1;
	s10 =	sld [smem:$0x3FBA];
	_ =	sdelay $0x3  }
0x34: {  	[smem:$0x3FBA] =	sst s10  }
0x35: {  	s10 =	sld [smem:$0x3FB9];
	_ =	sdelay $0x3  }
0x36: {  	p1 =	seq.s32 s10, $0x1;
	s10 =	sld [smem:$0x3FBA];
	_ =	sdelay $0x3  }
0x37: {  	[smem:$0x3FBA] =	sst s10  }
0x38: {  	s10 =	sld [smem:$0x3FBB]  }
0x39: {  	_ = 	snop;
	(pc) =	sbr.ind lr, $3  }
0x3a: {  	_ = 	snop  }
0x3b: {  	_ = 	snop  }
0x3c: {  	p2 =	seq.s32 s10, $0x1;
	s10 =	sld [smem:$0x3FBA]  }
0x3d: {  	_ =	shalt  }
0x3e: {  	_ =	shalt  }
0x3f: {  	_ =	shalt  }
0x40: {  	_ =	shalt  }
0x41: {  	_ =	shalt  }
0x42: {  	_ =	shalt  }
0x43: {  	_ =	shalt  }
0x44: {  	_ =	shalt  }
0x45: {  	_ =	shalt  }
0x46: {  	_ =	shalt  }
0x47: {  	_ =	shalt  }
0x48: {  	_ =	shalt  }
0x49: {  	_ =	shalt  }
0x4a: {  	_ =	shalt  }
0x4b: {  	_ =	shalt  }
0x4c: {  	_ =	shalt  }
0x4d: {  	_ =	shalt  }
0x4e: {  	_ =	shalt  }
0x4f: {  	_ =	shalt  }
0x50: {  	_ =	shalt  }
0x51: {  	_ =	shalt  }
0x52: {  	_ =	shalt  }
0x53: {  	_ =	shalt  }
0x54: {  	_ =	shalt  }
0x55: {  	_ =	shalt  }
0x56: {  	_ =	shalt  }
0x57: {  	_ =	shalt  }
0x58: {  	_ =	shalt  }
0x59: {  	_ =	shalt  }
0x5a: {  	_ =	shalt  }
0x5b: {  	_ =	shalt  }
0x5c: {  	_ =	shalt  }
0x5d: {  	_ =	shalt  }
0x5e: {  	_ =	shalt  }
0x5f: {  	_ =	shalt  }
0x60: {  	_ =	shalt  }
0x61: {  	_ =	shalt  }
0x62: {  	_ =	shalt  }
0x63: {  	_ =	shalt  }
0x64: {  	_ =	shalt  }
0x65: {  	_ =	shalt  }
0x66: {  	_ =	shalt  }
0x67: {  	_ =	shalt  }
0x68: {  	_ =	shalt  }
0x69: {  	_ =	shalt  }
0x6a: {  	_ =	shalt  }
0x6b: {  	_ =	shalt  }
0x6c: {  	_ =	shalt  }
0x6d: {  	_ =	shalt  }
0x6e: {  	_ =	shalt  }
0x6f: {  	_ =	shalt  }
0x70: {  	_ =	shalt  }
0x71: {  	_ =	shalt  }
0x72: {  	_ =	shalt  }
0x73: {  	_ =	shalt  }
0x74: {  	_ =	shalt  }
0x75: {  	_ =	shalt  }
0x76: {  	_ =	shalt  }
0x77: {  	_ =	shalt  }
0x78: {  	_ =	shalt  }
0x79: {  	_ =	shalt  }
0x7a: {  	_ =	shalt  }
0x7b: {  	_ =	shalt  }
0x7c: {  	_ =	shalt  }
0x7d: {  	_ =	shalt  }
0x7e: {  	_ =	shalt  }
0x7f: {  	_ =	shalt  }
0x80: {  	_ =	shalt  }
0x81: {  	_ =	shalt  }
0x82: {  	_ =	shalt  }
0x83: {  	_ =	shalt  }
0x84: {  	_ =	shalt  }
0x85: {  	_ =	shalt  }
0x86: {  	_ =	shalt  }
0x87: {  	_ =	shalt  }
.Lfunc_end0:
.L_simem_size_0:
called_computation_lowered:
.L_overlay_start_0:
0x88: {  	s2 =	sld [smem:$0x3FD9]  }
0x89: {  	s3 =	sld [smem:$0x3FFE];
	_ =	sdelay $0x1  }
0x8a: {  	s1 =	srdreg.scid  }
0x8b: {  	s0 =	sand.u32 $0x1, s1  }
0x8c: {  	s17 =	sshll.u32 s0, $0xA;
	s2 =	sadd.s32 s3, s2  }
0x8d: {  	s2 =	sadd.s32 s2, s17  }
0x8e: {  	[smem:$0x3FC6] =	sst s2  }
0x8f: {  	_ = 	snop  }
0x90: {  	s2 =	sld [smem:$0x3FC9]  }
0x91: {  	s18 =	sld [smem:$0x3FD0];
	(tm) =	ssettm $0x1  }
0x92: {  	s4 =	sld [smem:$0x3FFB];
	_ =	sdelay $0x3  }
0x93: {  	_ =	strace s4  }
0x94: {  	s4 =	sld [smem:$0x3FFC];
	_ =	sdelay $0x3  }
0x95: {  	_ =	strace s4  }
0x96: {  	s4 =	sld [smem:$0x3FFD];
	_ =	sdelay $0x3  }
0x97: {  	_ =	strace s4  }
0x98: {  	_ =	strace $0x8FFFFFFF  }
0x99: {  	s19 =	sld [smem:$0x3FDB];
	_ =	sdelay $0x1  }
0x9a: {  	s5 =	simm.s32 $_scs_section_size  }
0x9b: {  	s6 =	simm.s32 $_size__tile_overlayer_lowered;
	s7 =	simm.s32 $_tile_overlayer_lowered  }
0x9c: {  	s22 =	simm.s32 $0x1BFF;
	s21 =	sshll.u32 s7, $0x1;
	s4 =	sadd.s32 s5, s19  }
0x9d: {  	s8 =	simm.s32 $0x0;
	s20 =	sshll.u32 s6, $0x1;
	s6 =	sadd.s32 s21, s4  }
0x9e: {  	[timem:s8], [sflag:s22] =	dma.local [hbm:s6], s20  }
0x9f: {  	_ =	swait.ge [sflag:s22], s20  }
0xa0: {  	s5 =	ssub.s32 $0x0, s20;
	[sflag:s22] =	ssyncset.done $0x0  }
0xa1: {  	[sflag:s22] =	ssyncadd.s32 s5;
	_ =	sdelay $0x1  }
0xa2: {  	s23 =	simm.s32 $0x1B8B  }
0xa3: {  	_ =	swait.ge [sflag:s23], $0x1  }
0xa4: {  	[sflag:s23] =	ssyncset.done $0x0  }
0xa5: {  	s25 =	simm.s32 $0x1B8E;
	s24 =	sld [smem:$0x3FFE];
	[sflag:s23] =	ssyncadd.s32 $0xFFFFFFFF  }
0xa6: {  	s26 =	simm.s32 $execute0_lowered;
	[smem:$0x3FD2] =	sst s25  }
0xa7: {  	s6 =	sshll.u32 s26, $0x1;
	_ =	strace $0x80000046;
	[dreg:$0x1] =	wrdreg $0xFFFFFFFF  }
0xa8: {  	s28 =	simm.s32 $_size_execute0_lowered;
	s4 =	sadd.s32 s4, s6;
	[dreg:$0x0] =	wrdreg $0x0  }
0xa9: {  	s6 =	sshll.u32 s28, $0x1;
	[dreg:$0x2] =	wrdreg s4  }
0xaa: {  	[dreg:$0x3] =	wrdreg s6  }
0xab: {  	[dreg:$0x4] =	wrdreg $0xC0  }
0xac: {  	_ =	task [dreg:s8], $0x5FFFF  }
0xad: {  	[dreg:$0x1] =	wrdreg $0xFFFFFFFF  }
0xae: {  	[dreg:$0x0] =	wrdreg $0x60  }
0xaf: {  	[dreg:$0x2] =	wrdreg s24  }
0xb0: {  	[dreg:$0x3] =	wrdreg s2  }
0xb1: {  	[dreg:$0x4] =	wrdreg s18  }
0xb2: {  	[dreg:$0x5] =	wrdreg $0x9  }
0xb3: {  	_ =	task.clear_ibuf [dreg:s8], $0x6FFFF;
	_ =	strace $0x90000046  }
0xb4: {  	s29 =	simm.s32 $0x9;
	_ =	strace $0x80000048  }
0xb5: {  	_ =	swait.ge [sflag:s29], $0x1  }
0xb6: {  	[sflag:s29] =	ssyncadd.s32 $0xFFFFFFFF  }
0xb7: {  	_ =	strace $0x90000048  }
0xb8: {  	_ =	sfence  }
0xb9: {  	s30 =	sld [smem:$0x0];
	_ =	sdelay $0x2  }
0xba: {  	s31 =	sshll.u32 s1, $0xD;
	s1 =	sshrl.u32 s1, $0x2  }
0xbb: {  	s3 =	sand.u32 $0x4000, s31;
	s1 =	sadd.s32 s1, s30  }
0xbc: {  	s0 =	sor.u32 s3, s0;
	s1 =	sshll.u32 s1, $0x11  }
0xbd: {  	s0 =	sor.u32 s1, s0  }
0xbe: {  	s0 =	sadd.s32 $0x8F2B, s0  }
0xbf: {  	[sflag:s0] =	ssyncadd.remote.s32 $0x1  }
0xc0: {  	_ =	sfence.sel $0xFFFF  }
0xc1: {  	[dreg:$0x0] =	wrdreg $0xFFFFFFFF;
	(pc) =	sbr.abs _section_cstart, $3  }
0xc2: {  	[dreg:$0x1] =	wrdreg $0xFFFFFFFF  }
0xc3: {  	_ =	task.clear_ibuf [dreg:s8], $0x2FFFF;
	_ =	strace $0x9FFFFFFF  }
0xc4: {  	(tm) =	ssettm $0x7FFFFFFF  }
0xc5: {  	_ =	shalt  }
tec
execute0_lowered:
.L_overlay_start_1:
0x0: {  	(tag) =	ssettag $0x1  }
0x1: {  	s0 =	rddreg [dreg:$0x0]  }
0x2: {  	s1 =	rddreg [dreg:$0x1]  }
0x3: {  	s6 =	rddreg [dreg:$0x2]  }
0x4: {  	s3 =	srdreg.scid;
	s2 =	simm.s32 $0x0;
	s9 =	stileid.u32  }
0x5: {  	s10 =	simm.s32 $0x200;
	s22 =	simm.s32 $0xCA00;
	s23 =	simm.s32 $0xD200  }
0x6: {  	s24 =	simm.s32 $0xDA00;
	s25 =	simm.s32 $0xE200;
	s26 =	simm.s32 $0xEA00  }
0x7: {  	s28 =	simm.s32 $0xF200;
	s29 =	simm.s32 $0xFA00;
	s30 =	simm.s32 $0x9A00  }
0x8: {  	s31 =	simm.s32 $0xA200;
	s11 =	simm.s32 $0xBA00;
	s12 =	simm.s32 $0xC200  }
0x9: {  	s13 =	simm.s32 $0x1;
	s14 =	simm.s32 $0x5;
	[smem:$0x7FF] =	sst s2  }
0xa: {  	s15 =	simm.s32 $0x2;
	_ =	strace $0x80000047;
	[dreg:$0x5] =	wrdreg s22  }
0xb: {  	s16 =	simm.s32 $0x6;
	s17 =	simm.s32 $0x3;
	[dreg:$0x6] =	wrdreg s23  }
0xc: {  	s7 =	sand.u32 $0x1, s3;
	s18 =	sshll.u32 s9, $0xA;
	[dreg:$0x7] =	wrdreg s24  }
0xd: {  	s3 =	sadd.s32 $0x600, s0;
	s19 =	sshll.u32 s9, $0x11;
	[dreg:$0x8] =	wrdreg s25  }
0xe: {  	s9 =	simm.s32 $0x9;
	s4 =	sshll.u32 s7, $0x9;
	[dreg:$0x9] =	wrdreg s26  }
0xf: {  	s5 =	ssub.s32 $0x2, s7;
	s20 =	sshll.u32 s7, $0x10;
	[dreg:$0xa] =	wrdreg s28  }
0x10: {  	s7 =	sadd.s32 $0x900, s0;
	[dreg:$0xb] =	wrdreg s29;
	s26 =	simm.s32 $0x8200  }
0x11: {  	s22 =	simm.s32 $0x0;
	s4 =	sor.u32 s4, s18;
	s8 =	sshrl.u32 s5, $0x1  }
0x12: {  	s18 =	simm.s32 $0x4200;
	s4 =	sshrl.u32 s4, $0x3;
	s8 =	ssub.s32 s5, s8  }
0x13: {  	s5 =	sadd.s32 $0x700, s0;
	s4 =	sadd.s32 s1, s4;
	s1 =	sadd.s32 s19, s6  }
0x14: {  	v2 =	vlaneseq.u32;
	s6 =	sadd.s32 $0x800, s0;
	s8 =	smax.u32 s8, $0x1;
	s0 =	simm.s32 $0xAA00  }
0x15: {  	vm0 =	vmmov $0xffff;
	v1 =	vshrl.u32 v2, $0x3;
	s19 =	simm.s32 $0x7;
	s21 =	sadd.s32 s20, s1;
	s1 =	simm.s32 $0xB200  }
0x16: {  	v0 =	vand.u32 $0x7, v2;
	v2 =	vor.u32 $0x8, v2;
	v1 =	vmul.u32 $0x8, v1;
	s20 =	simm.s32 $0x4;
	[dreg:$0x4] =	wrdreg s21;
	s21 =	simm.s32 $0x8  }
.LBB2_1:
0x17: {  	[tilespmem:s2], [sflag:$0x9] =	stream.linear.gather [hbm4b:s4+s2], $0x200, $0x38;
	[tilespmem:$0x10200] =	vst v63  }
0x18: {  	_ =	swait.ge [sflag:s9], $0x200  }
0x19: {  	[sflag:s9] =	ssyncset.done $0x0  }
0x1a: {  	[sflag:s9] =	ssyncadd.s32 $0xFFFFFE00  }
0x1b: {  	v3 =	vld [tilespmem:$0x0];
	_ =	sdelay $0x4  }
0x1c: {  	v4 =	vshll.u32 v3, $0x3  }
0x1d: {  	v3 =	vand.u32 $0x7, v3;
	v4 =	vand.u32 $0xFFFFFFC0, v4  }
0x1e: {  	v3 =	vor.u32 v3, v4  }
0x1f: {  	v4 =	vperm.xlane v3, v0;
	_ =	sdelay $0x1  }
0x20: {  	v4 =	vadd.s32 v1, v4;
	_ =	sdelay $0x4  }
0x21: {  	[tilespmem:s10], [sflag:$0x1] =	stream.indirect_vreg.gather [hbm4b:s3+s2], $0x80, v4, vm0, $0xb8;
	[tilespmem:$0x10200] =	vst v63  }
0x22: {  	s23 =	simm.s32 $0xA00;
	v3 =	vperm.xlane v3, v2  }
0x23: {  	[tilespmem:s23], [sflag:$0x1] =	stream.indirect_vreg.gather [hbm4b:s5+s2], $0x80, v4, vm0, $0xb8;
	[tilespmem:$0x10200] =	vst v63  }
0x24: {  	s25 =	simm.s32 $0x1200;
	v3 =	vadd.s32 v1, v3  }
0x25: {  	[tilespmem:s25], [sflag:$0x1] =	stream.indirect_vreg.gather [hbm4b:s6+s2], $0x80, v4, vm0, $0xb8;
	[tilespmem:$0x10200] =	vst v63  }
0x26: {  	s28 =	simm.s32 $0x1A00  }
0x27: {  	[tilespmem:s28], [sflag:$0x1] =	stream.indirect_vreg.gather [hbm4b:s7+s2], $0x80, v4, vm0, $0xb8;
	[tilespmem:$0x10200] =	vst v63  }
0x28: {  	s29 =	simm.s32 $0x2200  }
0x29: {  	[tilespmem:s29], [sflag:$0x1] =	stream.indirect_vreg.gather [hbm4b:s3+s2], $0x80, v3, vm0, $0xb8;
	[tilespmem:$0x10200] =	vst v63  }
0x2a: {  	s24 =	simm.s32 $0x2A00  }
0x2b: {  	[tilespmem:s24], [sflag:$0x1] =	stream.indirect_vreg.gather [hbm4b:s5+s2], $0x80, v3, vm0, $0xb8;
	[tilespmem:$0x10200] =	vst v63  }
0x2c: {  	s25 =	simm.s32 $0x3200  }
0x2d: {  	[tilespmem:s25], [sflag:$0x1] =	stream.indirect_vreg.gather [hbm4b:s6+s2], $0x80, v3, vm0, $0xb8;
	[tilespmem:$0x10200] =	vst v63  }
0x2e: {  	s28 =	simm.s32 $0x3A00  }
0x2f: {  	[tilespmem:s28], [sflag:$0x1] =	stream.indirect_vreg.gather [hbm4b:s7+s2], $0x80, v3, vm0, $0xb8;
	[tilespmem:$0x10200] =	vst v63  }
0x30: {  	v3 =	vld [tilespmem:$0x10];
	_ =	sdelay $0x4  }
0x31: {  	v62 =	vshll.u32 v3, $0x3  }
0x32: {  	v3 =	vand.u32 $0x7, v3;
	v4 =	vand.u32 $0xFFFFFFC0, v62  }
0x33: {  	v3 =	vor.u32 v3, v4  }
0x34: {  	v4 =	vperm.xlane v3, v0;
	_ =	sdelay $0x1  }
0x35: {  	v4 =	vadd.s32 v1, v4;
	_ =	sdelay $0x4  }
0x36: {  	[tilespmem:s18], [sflag:$0x2] =	stream.indirect_vreg.gather [hbm4b:s3+s2], $0x80, v4, vm0, $0xb8;
	[tilespmem:$0x10200] =	vst v63  }
0x37: {  	s29 =	simm.s32 $0x4A00;
	v3 =	vperm.xlane v3, v2  }
0x38: {  	[tilespmem:s29], [sflag:$0x2] =	stream.indirect_vreg.gather [hbm4b:s5+s2], $0x80, v4, vm0, $0xb8;
	[tilespmem:$0x10200] =	vst v63  }
0x39: {  	s24 =	simm.s32 $0x5200;
	v3 =	vadd.s32 v1, v3  }
0x3a: {  	[tilespmem:s24], [sflag:$0x2] =	stream.indirect_vreg.gather [hbm4b:s6+s2], $0x80, v4, vm0, $0xb8;
	[tilespmem:$0x10200] =	vst v63  }
0x3b: {  	s25 =	simm.s32 $0x5A00  }
0x3c: {  	[tilespmem:s25], [sflag:$0x2] =	stream.indirect_vreg.gather [hbm4b:s7+s2], $0x80, v4, vm0, $0xb8;
	[tilespmem:$0x10200] =	vst v63  }
0x3d: {  	s28 =	simm.s32 $0x6200  }
0x3e: {  	[tilespmem:s28], [sflag:$0x2] =	stream.indirect_vreg.gather [hbm4b:s3+s2], $0x80, v3, vm0, $0xb8;
	[tilespmem:$0x10200] =	vst v63  }
0x3f: {  	s29 =	simm.s32 $0x6A00  }
0x40: {  	[tilespmem:s29], [sflag:$0x2] =	stream.indirect_vreg.gather [hbm4b:s5+s2], $0x80, v3, vm0, $0xb8;
	[tilespmem:$0x10200] =	vst v63  }
0x41: {  	s24 =	simm.s32 $0x7200  }
0x42: {  	[tilespmem:s24], [sflag:$0x2] =	stream.indirect_vreg.gather [hbm4b:s6+s2], $0x80, v3, vm0, $0xb8;
	[tilespmem:$0x10200] =	vst v63  }
0x43: {  	s25 =	simm.s32 $0x7A00  }
0x44: {  	[tilespmem:s25], [sflag:$0x2] =	stream.indirect_vreg.gather [hbm4b:s7+s2], $0x80, v3, vm0, $0xb8;
	[tilespmem:$0x10200] =	vst v63  }
0x45: {  	v3 =	vld [tilespmem:$0x20];
	_ =	sdelay $0x4  }
0x46: {  	v63 =	vshll.u32 v3, $0x3  }
0x47: {  	v3 =	vand.u32 $0x7, v3;
	v4 =	vand.u32 $0xFFFFFFC0, v63  }
0x48: {  	v3 =	vor.u32 v3, v4  }
0x49: {  	v4 =	vperm.xlane v3, v0;
	_ =	sdelay $0x1  }
0x4a: {  	v4 =	vadd.s32 v1, v4;
	_ =	sdelay $0x4  }
0x4b: {  	[tilespmem:s26], [sflag:$0x3] =	stream.indirect_vreg.gather [hbm4b:s3+s2], $0x80, v4, vm0, $0xb8;
	[tilespmem:$0x10200] =	vst v63  }
0x4c: {  	s28 =	simm.s32 $0x8A00;
	v3 =	vperm.xlane v3, v2  }
0x4d: {  	[tilespmem:s28], [sflag:$0x3] =	stream.indirect_vreg.gather [hbm4b:s5+s2], $0x80, v4, vm0, $0xb8;
	[tilespmem:$0x10200] =	vst v63  }
0x4e: {  	s29 =	simm.s32 $0x9200;
	v3 =	vadd.s32 v1, v3  }
0x4f: {  	[tilespmem:s29], [sflag:$0x3] =	stream.indirect_vreg.gather [hbm4b:s6+s2], $0x80, v4, vm0, $0xb8;
	[tilespmem:$0x10200] =	vst v63  }
0x50: {  	_ = 	snop  }
0x51: {  	[tilespmem:s30], [sflag:$0x3] =	stream.indirect_vreg.gather [hbm4b:s7+s2], $0x80, v4, vm0, $0xb8;
	[tilespmem:$0x10200] =	vst v63  }
0x52: {  	_ = 	snop  }
0x53: {  	[tilespmem:s31], [sflag:$0x3] =	stream.indirect_vreg.gather [hbm4b:s3+s2], $0x80, v3, vm0, $0xb8;
	[tilespmem:$0x10200] =	vst v63  }
0x54: {  	_ = 	snop  }
0x55: {  	[tilespmem:s0], [sflag:$0x3] =	stream.indirect_vreg.gather [hbm4b:s5+s2], $0x80, v3, vm0, $0xb8;
	[tilespmem:$0x10200] =	vst v63  }
0x56: {  	_ = 	snop  }
0x57: {  	[tilespmem:s1], [sflag:$0x3] =	stream.indirect_vreg.gather [hbm4b:s6+s2], $0x80, v3, vm0, $0xb8;
	[tilespmem:$0x10200] =	vst v63  }
0x58: {  	s23 =	simm.s32 $0x60;
	s24 =	simm.s32 $0x0  }
0x59: {  	[tilespmem:s11], [sflag:$0x3] =	stream.indirect_vreg.gather [hbm4b:s7+s2], $0x80, v3, vm0, $0xb8;
	[tilespmem:$0x10200] =	vst v63  }
.LBB2_2:
0x5a: {  	p0 =	seq.s32 s24, $0x0  }
0x5b: {  	s25 =	simm.s32 @!p0 $0x8  }
0x5c: {  	_ =	swait.ge @!p0 [sflag:s25], $0x4000  }
0x5d: {  	[sflag:s25] =	ssyncset.done @!p0 $0x0  }
0x5e: {  	[sflag:s25] =	ssyncadd.s32 @!p0 $0xFFFFC000  }
0x5f: {  	v3 =	vld [tilespmem:s23+$0xFFFFFFD0];
	_ =	sdelay $0x4  }
0x60: {  	v4 =	vshll.u32 v3, $0x3  }
0x61: {  	v3 =	vand.u32 $0x7, v3;
	v4 =	vand.u32 $0xFFFFFFC0, v4  }
0x62: {  	v3 =	vor.u32 v3, v4  }
0x63: {  	v4 =	vperm.xlane v3, v0;
	_ =	sdelay $0x1  }
0x64: {  	v4 =	vadd.s32 v1, v4;
	_ =	sdelay $0x4  }
0x65: {  	[tilespmem:s12], [sflag:$0x4] =	stream.indirect_vreg.gather [hbm4b:s3+s2], $0x80, v4, vm0, $0xb8;
	[tilespmem:$0x10200] =	vst v63  }
0x66: {  	s29 =	rddreg [dreg:$0x5];
	v3 =	vperm.xlane v3, v2  }
0x67: {  	[tilespmem:s29], [sflag:$0x4] =	stream.indirect_vreg.gather [hbm4b:s5+s2], $0x80, v4, vm0, $0xb8;
	[tilespmem:$0x10200] =	vst v63  }
0x68: {  	s28 =	rddreg [dreg:$0x6];
	v3 =	vadd.s32 v1, v3  }
0x69: {  	[tilespmem:s28], [sflag:$0x4] =	stream.indirect_vreg.gather [hbm4b:s6+s2], $0x80, v4, vm0, $0xb8;
	[tilespmem:$0x10200] =	vst v63  }
0x6a: {  	s29 =	rddreg [dreg:$0x7]  }
0x6b: {  	[tilespmem:s29], [sflag:$0x4] =	stream.indirect_vreg.gather [hbm4b:s7+s2], $0x80, v4, vm0, $0xb8;
	[tilespmem:$0x10200] =	vst v63  }
0x6c: {  	s28 =	rddreg [dreg:$0x8]  }
0x6d: {  	[tilespmem:s28], [sflag:$0x4] =	stream.indirect_vreg.gather [hbm4b:s3+s2], $0x80, v3, vm0, $0xb8;
	[tilespmem:$0x10200] =	vst v63  }
0x6e: {  	s29 =	rddreg [dreg:$0x9]  }
0x6f: {  	[tilespmem:s29], [sflag:$0x4] =	stream.indirect_vreg.gather [hbm4b:s5+s2], $0x80, v3, vm0, $0xb8;
	[tilespmem:$0x10200] =	vst v63  }
0x70: {  	s28 =	rddreg [dreg:$0xa]  }
0x71: {  	[tilespmem:s28], [sflag:$0x4] =	stream.indirect_vreg.gather [hbm4b:s6+s2], $0x80, v3, vm0, $0xb8;
	[tilespmem:$0x10200] =	vst v63  }
0x72: {  	s29 =	rddreg [dreg:$0xb]  }
0x73: {  	[tilespmem:s29], [sflag:$0x4] =	stream.indirect_vreg.gather [hbm4b:s7+s2], $0x80, v3, vm0, $0xb8;
	[tilespmem:$0x10200] =	vst v63  }
0x74: {  	_ =	swait.ge [sflag:s13], $0x4000  }
0x75: {  	s29 =	rddreg [dreg:$0x4];
	[sflag:s13] =	ssyncset.done $0x0  }
0x76: {  	[sflag:s13] =	ssyncadd.s32 $0xFFFFC000;
	s25 =	sadd.s32 s24, s29  }
0x77: {  	[hbm4b:s25+s2] =	stream.linear.scatter [tilespmem:s10], [sflag:$0x5], $0x4000, $0x38;
	[tilespmem:$0x10200] =	vst v63  }
0x78: {  	_ =	swait.ge [sflag:s14], $0x4000  }
0x79: {  	[sflag:s14] =	ssyncset.done $0x0  }
0x7a: {  	p0 =	seq.s32 s24, $0xE000;
	[sflag:s14] =	ssyncadd.s32 $0xFFFFC000  }
0x7b: {  	v3 =	vld @!p0 [tilespmem:s23+$0xFFFFFFE0];
	_ =	sdelay $0x4  }
0x7c: {  	v4 =	vshll.u32 @!p0 v3, $0x3  }
0x7d: {  	v5 =	vlaneseq.u32 @!p0;
	v3 =	vand.u32 @!p0 $0x7, v3;
	v4 =	vand.u32 @!p0 $0xFFFFFFC0, v4  }
0x7e: {  	v6 =	vshrl.u32 @!p0 v5, $0x3;
	v3 =	vor.u32 @!p0 v3, v4;
	v4 =	vand.u32 @!p0 $0x7, v5  }
0x7f: {  	v6 =	vmul.u32 @!p0 $0x8, v6;
	v7 =	vperm.xlane @!p0 v3, v4;
	_ =	sdelay $0x1  }
0x80: {  	v7 =	vadd.s32 @!p0 v6, v7;
	_ =	sdelay $0x3  }
0x81: {  	vm1 =	vmmov @!p0 $0xffff;
	s28 =	simm.s32 @!p0 $0x0;
	s29 =	simm.s32 @!p0 $0x200  }
0x82: {  	v5 =	vor.u32 @!p0 $0x8, v5;
	[tilespmem:s29], [sflag:$0x1] =	stream.indirect_vreg.gather @!p0 [hbm4b:s3+s28], $0x80, v7, vm1, $0xb8;
	[tilespmem:$0x10200] =	vst v63  }
0x83: {  	v3 =	vperm.xlane @!p0 v3, v5;
	s29 =	simm.s32 @!p0 $0xA00  }
0x84: {  	[tilespmem:s29], [sflag:$0x1] =	stream.indirect_vreg.gather @!p0 [hbm4b:s5+s28], $0x80, v7, vm1, $0xb8;
	[tilespmem:$0x10200] =	vst v63  }
0x85: {  	v3 =	vadd.s32 @!p0 v6, v3;
	s29 =	simm.s32 @!p0 $0x1200  }
0x86: {  	[tilespmem:s29], [sflag:$0x1] =	stream.indirect_vreg.gather @!p0 [hbm4b:s6+s28], $0x80, v7, vm1, $0xb8;
	[tilespmem:$0x10200] =	vst v63  }
0x87: {  	s29 =	simm.s32 @!p0 $0x1A00  }
0x88: {  	[tilespmem:s29], [sflag:$0x1] =	stream.indirect_vreg.gather @!p0 [hbm4b:s7+s28], $0x80, v7, vm1, $0xb8;
	[tilespmem:$0x10200] =	vst v63  }
0x89: {  	s29 =	simm.s32 @!p0 $0x2200  }
0x8a: {  	[tilespmem:s29], [sflag:$0x1] =	stream.indirect_vreg.gather @!p0 [hbm4b:s3+s28], $0x80, v3, vm1, $0xb8;
	[tilespmem:$0x10200] =	vst v63  }
0x8b: {  	s29 =	simm.s32 @!p0 $0x2A00  }
0x8c: {  	[tilespmem:s29], [sflag:$0x1] =	stream.indirect_vreg.gather @!p0 [hbm4b:s5+s28], $0x80, v3, vm1, $0xb8;
	[tilespmem:$0x10200] =	vst v63  }
0x8d: {  	s29 =	simm.s32 @!p0 $0x3200  }
0x8e: {  	[tilespmem:s29], [sflag:$0x1] =	stream.indirect_vreg.gather @!p0 [hbm4b:s6+s28], $0x80, v3, vm1, $0xb8;
	[tilespmem:$0x10200] =	vst v63  }
0x8f: {  	s29 =	simm.s32 @!p0 $0x3A00  }
0x90: {  	[tilespmem:s29], [sflag:$0x1] =	stream.indirect_vreg.gather @!p0 [hbm4b:s7+s28], $0x80, v3, vm1, $0xb8;
	[tilespmem:$0x10200] =	vst v63  }
0x91: {  	_ =	swait.ge [sflag:s15], $0x4000  }
0x92: {  	[sflag:s15] =	ssyncset.done $0x0  }
0x93: {  	s29 =	sadd.s32 $0x800, s25;
	[sflag:s15] =	ssyncadd.s32 $0xFFFFC000  }
0x94: {  	[hbm4b:s29+s2] =	stream.linear.scatter [tilespmem:s18], [sflag:$0x6], $0x4000, $0x38;
	[tilespmem:$0x10200] =	vst v63  }
0x95: {  	_ =	swait.ge [sflag:s16], $0x4000  }
0x96: {  	[sflag:s16] =	ssyncset.done $0x0  }
0x97: {  	[sflag:s16] =	ssyncadd.s32 $0xFFFFC000  }
0x98: {  	v3 =	vld @!p0 [tilespmem:s23+$0xFFFFFFF0];
	_ =	sdelay $0x4  }
0x99: {  	v7 =	vshll.u32 @!p0 v3, $0x3  }
0x9a: {  	v3 =	vand.u32 @!p0 $0x7, v3;
	v7 =	vand.u32 @!p0 $0xFFFFFFC0, v7  }
0x9b: {  	v3 =	vor.u32 @!p0 v3, v7  }
0x9c: {  	v7 =	vperm.xlane @!p0 v3, v4;
	_ =	sdelay $0x1  }
0x9d: {  	v7 =	vadd.s32 @!p0 v6, v7;
	_ =	sdelay $0x3  }
0x9e: {  	s29 =	simm.s32 @!p0 $0x4200  }
0x9f: {  	[tilespmem:s29], [sflag:$0x2] =	stream.indirect_vreg.gather @!p0 [hbm4b:s3+s28], $0x80, v7, vm1, $0xb8;
	[tilespmem:$0x10200] =	vst v63  }
0xa0: {  	v3 =	vperm.xlane @!p0 v3, v5;
	s29 =	simm.s32 @!p0 $0x4A00  }
0xa1: {  	[tilespmem:s29], [sflag:$0x2] =	stream.indirect_vreg.gather @!p0 [hbm4b:s5+s28], $0x80, v7, vm1, $0xb8;
	[tilespmem:$0x10200] =	vst v63  }
0xa2: {  	v3 =	vadd.s32 @!p0 v6, v3;
	s29 =	simm.s32 @!p0 $0x5200  }
0xa3: {  	[tilespmem:s29], [sflag:$0x2] =	stream.indirect_vreg.gather @!p0 [hbm4b:s6+s28], $0x80, v7, vm1, $0xb8;
	[tilespmem:$0x10200] =	vst v63  }
0xa4: {  	s29 =	simm.s32 @!p0 $0x5A00  }
0xa5: {  	[tilespmem:s29], [sflag:$0x2] =	stream.indirect_vreg.gather @!p0 [hbm4b:s7+s28], $0x80, v7, vm1, $0xb8;
	[tilespmem:$0x10200] =	vst v63  }
0xa6: {  	s29 =	simm.s32 @!p0 $0x6200  }
0xa7: {  	[tilespmem:s29], [sflag:$0x2] =	stream.indirect_vreg.gather @!p0 [hbm4b:s3+s28], $0x80, v3, vm1, $0xb8;
	[tilespmem:$0x10200] =	vst v63  }
0xa8: {  	s29 =	simm.s32 @!p0 $0x6A00  }
0xa9: {  	[tilespmem:s29], [sflag:$0x2] =	stream.indirect_vreg.gather @!p0 [hbm4b:s5+s28], $0x80, v3, vm1, $0xb8;
	[tilespmem:$0x10200] =	vst v63  }
0xaa: {  	s29 =	simm.s32 @!p0 $0x7200  }
0xab: {  	[tilespmem:s29], [sflag:$0x2] =	stream.indirect_vreg.gather @!p0 [hbm4b:s6+s28], $0x80, v3, vm1, $0xb8;
	[tilespmem:$0x10200] =	vst v63  }
0xac: {  	s29 =	simm.s32 @!p0 $0x7A00  }
0xad: {  	[tilespmem:s29], [sflag:$0x2] =	stream.indirect_vreg.gather @!p0 [hbm4b:s7+s28], $0x80, v3, vm1, $0xb8;
	[tilespmem:$0x10200] =	vst v63  }
0xae: {  	_ =	swait.ge [sflag:s17], $0x4000  }
0xaf: {  	[sflag:s17] =	ssyncset.done $0x0  }
0xb0: {  	s29 =	sadd.s32 $0x1000, s25;
	[sflag:s17] =	ssyncadd.s32 $0xFFFFC000  }
0xb1: {  	[hbm4b:s29+s2] =	stream.linear.scatter [tilespmem:s26], [sflag:$0x7], $0x4000, $0x38;
	[tilespmem:$0x10200] =	vst v63  }
0xb2: {  	_ =	swait.ge [sflag:s19], $0x4000  }
0xb3: {  	[sflag:s19] =	ssyncset.done $0x0  }
0xb4: {  	[sflag:s19] =	ssyncadd.s32 $0xFFFFC000  }
0xb5: {  	v3 =	vld @!p0 [tilespmem:s23+$0x0];
	_ =	sdelay $0x4  }
0xb6: {  	v7 =	vshll.u32 @!p0 v3, $0x3  }
0xb7: {  	v3 =	vand.u32 @!p0 $0x7, v3;
	v7 =	vand.u32 @!p0 $0xFFFFFFC0, v7  }
0xb8: {  	v3 =	vor.u32 @!p0 v3, v7  }
0xb9: {  	v4 =	vperm.xlane @!p0 v3, v4;
	_ =	sdelay $0x1  }
0xba: {  	v4 =	vadd.s32 @!p0 v6, v4;
	_ =	sdelay $0x3  }
0xbb: {  	s29 =	simm.s32 @!p0 $0x8200  }
0xbc: {  	[tilespmem:s29], [sflag:$0x3] =	stream.indirect_vreg.gather @!p0 [hbm4b:s3+s28], $0x80, v4, vm1, $0xb8;
	[tilespmem:$0x10200] =	vst v63  }
0xbd: {  	v3 =	vperm.xlane @!p0 v3, v5;
	s29 =	simm.s32 @!p0 $0x8A00  }
0xbe: {  	[tilespmem:s29], [sflag:$0x3] =	stream.indirect_vreg.gather @!p0 [hbm4b:s5+s28], $0x80, v4, vm1, $0xb8;
	[tilespmem:$0x10200] =	vst v63  }
0xbf: {  	v3 =	vadd.s32 @!p0 v6, v3;
	s29 =	simm.s32 @!p0 $0x9200  }
0xc0: {  	[tilespmem:s29], [sflag:$0x3] =	stream.indirect_vreg.gather @!p0 [hbm4b:s6+s28], $0x80, v4, vm1, $0xb8;
	[tilespmem:$0x10200] =	vst v63  }
0xc1: {  	s29 =	simm.s32 @!p0 $0x9A00  }
0xc2: {  	[tilespmem:s29], [sflag:$0x3] =	stream.indirect_vreg.gather @!p0 [hbm4b:s7+s28], $0x80, v4, vm1, $0xb8;
	[tilespmem:$0x10200] =	vst v63  }
0xc3: {  	s29 =	simm.s32 @!p0 $0xA200  }
0xc4: {  	[tilespmem:s29], [sflag:$0x3] =	stream.indirect_vreg.gather @!p0 [hbm4b:s3+s28], $0x80, v3, vm1, $0xb8;
	[tilespmem:$0x10200] =	vst v63  }
0xc5: {  	s29 =	simm.s32 @!p0 $0xAA00  }
0xc6: {  	[tilespmem:s29], [sflag:$0x3] =	stream.indirect_vreg.gather @!p0 [hbm4b:s5+s28], $0x80, v3, vm1, $0xb8;
	[tilespmem:$0x10200] =	vst v63  }
0xc7: {  	s29 =	simm.s32 @!p0 $0xB200  }
0xc8: {  	[tilespmem:s29], [sflag:$0x3] =	stream.indirect_vreg.gather @!p0 [hbm4b:s6+s28], $0x80, v3, vm1, $0xb8;
	[tilespmem:$0x10200] =	vst v63  }
0xc9: {  	s24 =	sadd.s32 $0x2000, s24;
	s29 =	simm.s32 @!p0 $0xBA00  }
0xca: {  	[tilespmem:s29], [sflag:$0x3] =	stream.indirect_vreg.gather @!p0 [hbm4b:s7+s28], $0x80, v3, vm1, $0xb8;
	[tilespmem:$0x10200] =	vst v63  }
0xcb: {  	p0 =	sne.s32 s24, $0x10000  }
.Ltmp0:
0xcc: {  	_ = 	snop;
	(pc) =	sbr.rel @p0 .LBB2_2-.Ltmp0, $4  }
0xcd: {  	_ =	swait.ge [sflag:s20], $0x4000  }
0xce: {  	[sflag:s20] =	ssyncset.done $0x0  }
0xcf: {  	s25 =	sadd.s32 $0x1800, s25;
	s23 =	sadd.s32 $0x40, s23;
	[sflag:s20] =	ssyncadd.s32 $0xFFFFC000  }
0xd0: {  	[hbm4b:s25+s2] =	stream.linear.scatter [tilespmem:s12], [sflag:$0x8], $0x4000, $0x38;
	[tilespmem:$0x10200] =	vst v63  }
0xd1: {  	s22 =	sadd.s32 $0x1, s22  }
0xd2: {  	p0 =	sne.s32 s22, s8  }
.Ltmp1:
0xd3: {  	_ = 	snop;
	(pc) =	sbr.rel @p0 .LBB2_1-.Ltmp1, $4  }
0xd4: {  	_ = 	snop  }
0xd5: {  	_ =	swait.ge [sflag:s21], $0x4000  }
0xd6: {  	[sflag:s21] =	ssyncset.done $0x0  }
0xd7: {  	[sflag:s21] =	ssyncadd.s32 $0xFFFFC000  }
0xd8: {  	_ =	sfence.sel $0x180000  }
0xd9: {  	[bflag:$0x0] =	sbarrier.arrive $0xFFFF  }
0xda: {  	_ =	strace $0x90000047  }
0xdb: {  	s0 =	stileid.u32;
	[bflag:$0x2] =	sbarrier.arrive $0xFFFF  }
0xdc: {  	p0 =	sne.s32 s0, $0x0;
	s0 =	rddreg [dreg:$0x3]  }
0xdd: {  	s0 =	sadd.s32 @!p0 $0x100000, s0  }
0xde: {  	[sflag:s0] =	ssyncadd.tile.s32 @!p0 $0x1;
	_ =	shalt  }
.Lfunc_end2:
_tile_overlayer_lowered:
.L_overlay_start_2:
0xdf: {  	(tag) =	ssettag $0x2  }
0xe0: {  	s0 =	rddreg [dreg:$0x0];
	s2 =	stileid.u32  }
0xe1: {  	s1 =	rddreg [dreg:$0x1];
	p0 =	sne.s32 s2, $0x0  }
0xe2: {  	s3 =	rddreg [dreg:$0x2];
	[bflag:$0x3] =	sbarrier.arrive $0xFFFF;
	s2 =	simm.s32 @!p0 $0x1C09  }
0xe3: {  	[timem:s3], [sflag:s2] =	dma.local @!p0 [hbm:s0], s1  }
0xe4: {  	s0 =	simm.s32 @!p0 $0x9  }
0xe5: {  	_ =	swait.ge @!p0 [sflag:s0], s1  }
0xe6: {  	s1 =	ssub.s32 @!p0 $0x0, s1;
	[sflag:s0] =	ssyncset.done @!p0 $0x0  }
0xe7: {  	[sflag:s0] =	ssyncadd.s32 @!p0 s1  }
0xe8: {  	[bflag:$0x3] =	sbarrier.arrive $0xFFFF  }
0xe9: {  	_ =	shalt  }

</sc_bundles>
